<compile_context>
chip_gen: v7x
topology: tpu7x:2x2x1
jax: 0.10.2.dev20260603
libtpu: 0.0.44.dev20260713+nightly
codegen_flags: <defaults>
</compile_context>

<pallas_src>
import jax
import jax.numpy as jnp
from jax import lax
from jax.experimental import pallas as pl
from jax.experimental.pallas import tpu as pltpu
from jax.experimental.pallas import tpu_sc as plsc

N = 1024
D = 128
NC = 2
NS = 16
L = 16
NW = NC * NS
RPW = N // NW
HPW = RPW // 2
CPR = N // L


def _dist_kernel(seq_ref, q_ref, u_ref, w_ref, b_ref, d_ref, scal_ref):
    s = seq_ref[:]
    q = q_ref[:]
    u = u_ref[:]

    a = s * q
    b = s * u

    dn = (((1,), (1,)), ((), ()))
    g = lax.dot_general(a, b, dn, preferred_element_type=jnp.float32)

    ra = jnp.sum(a * a, axis=1, keepdims=True)
    rs = jnp.sum(s * s, axis=1, keepdims=True)

    ones_row = jnp.ones((1, D), dtype=jnp.float32)
    rb_t = lax.dot_general(ones_row, b * b, dn, preferred_element_type=jnp.float32)
    ones_1 = jnp.ones((1, 1), dtype=jnp.float32)
    uu_t = lax.dot_general(ones_1, u * u, dn, preferred_element_type=jnp.float32)

    d2 = jnp.maximum(ra + rb_t - 2.0 * g, 0.0)
    d = jnp.sqrt(d2)

    diag = jnp.abs(q - u) * jnp.sqrt(rs)
    row_i = lax.broadcasted_iota(jnp.int32, (N, N), 0)
    col_i = lax.broadcasted_iota(jnp.int32, (N, N), 1)
    d = jnp.where(row_i == col_i, diag, d)

    norm = jnp.mean(d)
    d_ref[:] = jnp.where(uu_t > 0.0, d, jnp.inf)

    ri = lax.broadcasted_iota(jnp.int32, (8, L), 0)
    scal = jnp.where(ri == 0, norm,
                     jnp.where(ri == 1, w_ref[0, 0],
                               jnp.where(ri == 2, b_ref[0, 0], 0.0)))
    scal_ref[:] = scal.astype(jnp.float32)


def _vgather(x, idx):
    dnums = lax.GatherDimensionNumbers(
        offset_dims=(), collapsed_slice_dims=(0,), start_index_map=(0,))
    return lax.gather(x, idx[:, None], dnums, slice_sizes=(1,),
                      mode=lax.GatherScatterMode.PROMISE_IN_BOUNDS)


def _sc_min_kernel(d_hbm, scal_hbm, out_hbm, dvm_a, dvm_b, scalvm, outvm,
                   sem_a, sem_b):
    cid = lax.axis_index("c")
    sid = lax.axis_index("s")
    wid = sid * NC + cid
    base = wid * RPW

    cp_a = pltpu.async_copy(d_hbm.at[pl.ds(base, HPW), :], dvm_a, sem_a)
    cp_b = pltpu.async_copy(d_hbm.at[pl.ds(base + HPW, HPW), :], dvm_b, sem_b)
    pltpu.sync_copy(scal_hbm.at[pl.ds(0, 3), :], scalvm)

    normv = scalvm[0, pl.ds(0, L)]
    wv = scalvm[1, pl.ds(0, L)]
    bv = scalvm[2, pl.ds(0, L)]

    lane = lax.iota(jnp.int32, L)
    inf_v = jnp.full((L,), jnp.inf, dtype=jnp.float32)
    zero = jnp.zeros((L,), dtype=jnp.float32)
    ov0, ov1 = zero, zero

    def make_rowbody(dvm):
        def rowbody(r, ov):
            mn0, mn1, mn2, mn3 = inf_v, inf_v, inf_v, inf_v
            for c in range(0, CPR, 4):
                o = c * L
                mn0 = jnp.minimum(mn0, dvm[r, pl.ds(o, L)])
                mn1 = jnp.minimum(mn1, dvm[r, pl.ds(o + L, L)])
                mn2 = jnp.minimum(mn2, dvm[r, pl.ds(o + 2 * L, L)])
                mn3 = jnp.minimum(mn3, dvm[r, pl.ds(o + 3 * L, L)])
            mn = jnp.minimum(jnp.minimum(mn0, mn1), jnp.minimum(mn2, mn3))
            for s in (8, 4, 2, 1):
                mn = jnp.minimum(mn, _vgather(mn, lane ^ s))
            return jnp.where(lane == r, mn, ov)
        return rowbody

    cp_a.wait()
    ov0 = lax.fori_loop(0, HPW, make_rowbody(dvm_a), ov0)
    cp_b.wait()
    ov1 = lax.fori_loop(0, HPW, make_rowbody(dvm_b), ov1)

    ov0 = jnp.minimum(ov0, normv)
    ov1 = jnp.minimum(ov1, normv)
    outvm[pl.ds(0, L)] = (1.0 - ov0 / normv) * wv + bv
    outvm[pl.ds(L, L)] = (1.0 - ov1 / normv) * wv + bv

    pltpu.sync_copy(outvm, out_hbm.at[pl.ds(base, RPW)])


def kernel(seq, qvs_idx, sum_idx, weight, bias):
    d, scal = pl.pallas_call(
        _dist_kernel,
        out_shape=(
            jax.ShapeDtypeStruct((N, N), jnp.float32),
            jax.ShapeDtypeStruct((8, L), jnp.float32),
        ),
    )(seq, qvs_idx, sum_idx, weight, bias.reshape(1, 1))

    mesh = plsc.VectorSubcoreMesh(core_axis_name="c", subcore_axis_name="s")
    out = pl.kernel(
        _sc_min_kernel,
        mesh=mesh,
        out_type=jax.ShapeDtypeStruct((N,), jnp.float32),
        scratch_types=[
            pltpu.VMEM((HPW, N), jnp.float32),
            pltpu.VMEM((HPW, N), jnp.float32),
            pltpu.VMEM((3, L), jnp.float32),
            pltpu.VMEM((RPW,), jnp.float32),
            pltpu.SemaphoreType.DMA,
            pltpu.SemaphoreType.DMA,
        ],
    )(d, scal)

    return out.reshape(N, 1)

# --- scband reference (transcript-rebuilt; emitter-appended) ---
"""Pipeline reference for scband-cov-10806137716743 (READ-ONLY COPY).

The authoritative reference and input builder live on the scoring server;
editing this copy changes nothing except your own understanding.
"""

import jax, jax.numpy as jnp
import numpy as np

N = 1024
D = 128

def setup_inputs(seed: int = 0) -> dict:
    key = jax.random.key(seed)
    k1, k2, k3, k4 = jax.random.split(key, 4)
    seq = jax.random.normal(k1, (N, D), dtype=jnp.float32)
    qvs_idx = jax.random.uniform(k2, (N, 1), dtype=jnp.float32)
    sum_idx = jnp.ones((N, 1), dtype=jnp.float32)
    # layer params: weight [in_dim=1, out_dim=1], bias [out_dim=1], uniform(0, 1/sqrt(out_dim))
    stdv = 1.0
    weight = jax.random.uniform(k3, (1, 1), dtype=jnp.float32) * stdv
    bias = jax.random.uniform(k4, (1,), dtype=jnp.float32) * stdv
    return {"seq": seq, "qvs_idx": qvs_idx, "sum_idx": sum_idx, "weight": weight, "bias": bias}

def reference(seq, qvs_idx, sum_idx, weight, bias):
    inseq = seq
    inseqS = inseq * sum_idx
    inseqQ = inseq * qvs_idx
    # Vsets3: pairwise L2 distances [N, N]
    diff = inseqQ[:, None, :] - inseqS[None, :, :]
    SeqDistS = jnp.sqrt(jnp.sum(diff * diff, axis=2))
    norm = SeqDistS.mean()
    col_mask = jnp.squeeze(sum_idx) != 0
    simcov4tmp = jnp.where(col_mask[None, :], SeqDistS, jnp.inf)
    if simcov4tmp.ndim == 1:
        simcov4tmp = simcov4tmp[:, None]
    simcov4 = jnp.min(simcov4tmp, axis=1)[:, None]
    simcov4 = jnp.where(simcov4 > norm, norm, simcov4)
    simcov4 = 1.0 - simcov4 / norm
    return simcov4 @ weight + bias

if __name__ == "__main__":
    import jax
    _d = setup_inputs()
    print(jax.jit(kernel)(*tuple(_d.values())))

</pallas_src>

<mosaic_0001>
#map = affine_map<(d0, d1) -> (0, 0)>
#map1 = affine_map<(d0, d1) -> (0)>
module attributes {stable_mosaic.version = 14 : i64} {
  func.func @_sc_min_kernel(%arg0: i32, %arg1: i32, %arg2: memref<1024x1024xf32, #tpu.memory_space<hbm>>, %arg3: memref<8x16xf32, #tpu.memory_space<hbm>>, %arg4: memref<1024xf32, #tpu.memory_space<hbm>>, %arg5: memref<16x1024xf32, #tpu.memory_space<vmem>>, %arg6: memref<16x1024xf32, #tpu.memory_space<vmem>>, %arg7: memref<3x16xf32, #tpu.memory_space<vmem>>, %arg8: memref<32xf32, #tpu.memory_space<vmem>>, %arg9: memref<!tpu.dma_semaphore, #tpu.memory_space<semaphore_mem>>, %arg10: memref<!tpu.dma_semaphore, #tpu.memory_space<semaphore_mem>>) attributes {dimension_semantics = [#tpu.dimension_semantics<core_parallel>, #tpu.dimension_semantics<subcore_parallel>], iteration_bounds = array<i64: 2, 16>, scalar_prefetch = 0 : i64, scratch_operands = 6 : i64, tpu.core_type = #tpu.core_type<sc_vector_subcore>, window_params = [{transform_indices = #map}, {transform_indices = #map}, {transform_indices = #map1}]} {
    %mul3A = arith.constant 2 : i32
    %mul3A_0 = arith.muli %arg1, %mul3A : i32
    %add3A = arith.addi %mul3A_0, %arg0 : i32
    %mul3A_1 = arith.constant 32 : i32
    %mul3A_2 = arith.muli %add3A, %mul3A_1 : i32
    %dma_start3A = arith.constant 0 : i32
    %dma_start3A_3 = tpu.memref_slice %arg2[%mul3A_2, %dma_start3A] : memref<1024x1024xf32, #tpu.memory_space<hbm>> -> memref<16x1024xf32, #tpu.memory_space<hbm>>
    %dma_start3A_4 = arith.constant 0 : i32
    %dma_start3A_5 = tpu.memref_slice %arg2[%mul3A_2, %dma_start3A_4] : memref<1024x1024xf32, #tpu.memory_space<hbm>> -> memref<16x1024xf32, #tpu.memory_space<hbm>>
    tpu.enqueue_dma source(%dma_start3A_5 : memref<16x1024xf32, #tpu.memory_space<hbm>>) target(%arg5 : memref<16x1024xf32, #tpu.memory_space<vmem>>) target_semaphore(%arg9 : memref<!tpu.dma_semaphore, #tpu.memory_space<semaphore_mem>>)
    %add3A_6 = arith.constant 16 : i32
    %add3A_7 = arith.addi %mul3A_2, %add3A_6 : i32
    %dma_start3A_8 = arith.constant 0 : i32
    %dma_start3A_9 = tpu.memref_slice %arg2[%add3A_7, %dma_start3A_8] : memref<1024x1024xf32, #tpu.memory_space<hbm>> -> memref<16x1024xf32, #tpu.memory_space<hbm>>
    %dma_start3A_10 = arith.constant 0 : i32
    %dma_start3A_11 = tpu.memref_slice %arg2[%add3A_7, %dma_start3A_10] : memref<1024x1024xf32, #tpu.memory_space<hbm>> -> memref<16x1024xf32, #tpu.memory_space<hbm>>
    tpu.enqueue_dma source(%dma_start3A_11 : memref<16x1024xf32, #tpu.memory_space<hbm>>) target(%arg6 : memref<16x1024xf32, #tpu.memory_space<vmem>>) target_semaphore(%arg10 : memref<!tpu.dma_semaphore, #tpu.memory_space<semaphore_mem>>)
    "tpu.region"() ({
      %run_scoped3A = tpu.sem_alloc : memref<!tpu.dma_semaphore, #tpu.memory_space<semaphore_mem>>
      %dma_start3A_65 = arith.constant 0 : i32
      %dma_start3A_66 = arith.constant 0 : i32
      %dma_start3A_67 = tpu.memref_slice %arg3[%dma_start3A_65, %dma_start3A_66] : memref<8x16xf32, #tpu.memory_space<hbm>> -> memref<3x16xf32, #tpu.memory_space<hbm>>
      %dma_start3A_68 = arith.constant 0 : i32
      %dma_start3A_69 = arith.constant 0 : i32
      %dma_start3A_70 = tpu.memref_slice %arg3[%dma_start3A_68, %dma_start3A_69] : memref<8x16xf32, #tpu.memory_space<hbm>> -> memref<3x16xf32, #tpu.memory_space<hbm>>
      tpu.enqueue_dma source(%dma_start3A_70 : memref<3x16xf32, #tpu.memory_space<hbm>>) target(%arg7 : memref<3x16xf32, #tpu.memory_space<vmem>>) target_semaphore(%run_scoped3A : memref<!tpu.dma_semaphore, #tpu.memory_space<semaphore_mem>>)
      %dma_wait3A_71 = arith.constant 0 : i32
      %dma_wait3A_72 = arith.constant 0 : i32
      %dma_wait3A_73 = tpu.memref_slice %arg3[%dma_wait3A_71, %dma_wait3A_72] : memref<8x16xf32, #tpu.memory_space<hbm>> -> memref<3x16xf32, #tpu.memory_space<hbm>>
      %dma_wait3A_74 = arith.constant 0 : i32
      %dma_wait3A_75 = arith.constant 0 : i32
      %dma_wait3A_76 = tpu.memref_slice %arg3[%dma_wait3A_74, %dma_wait3A_75] : memref<8x16xf32, #tpu.memory_space<hbm>> -> memref<3x16xf32, #tpu.memory_space<hbm>>
      tpu.wait_dma2 semaphore(%run_scoped3A : memref<!tpu.dma_semaphore, #tpu.memory_space<semaphore_mem>>) src(%dma_wait3A_76 : memref<3x16xf32, #tpu.memory_space<hbm>>) dst(%arg7 : memref<3x16xf32, #tpu.memory_space<vmem>>)
      tpu.yield
    }) : () -> ()
    %get3A = arith.constant 0 : i32
    %get3A_12 = arith.index_cast %get3A : i32 to index
    %get3A_13 = arith.constant 0 : index
    %get3A_14 = tpu.vector_load %arg7[%get3A_12, %get3A_13] {strides = array<i32>} : memref<3x16xf32, #tpu.memory_space<vmem>>, vector<1x16xf32>,
    %get3A_15 = vector.shape_cast %get3A_14 : vector<1x16xf32> to vector<16xf32>
    %get3A_16 = arith.constant 1 : i32
    %get3A_17 = arith.index_cast %get3A_16 : i32 to index
    %get3A_18 = arith.constant 0 : index
    %get3A_19 = tpu.vector_load %arg7[%get3A_17, %get3A_18] {strides = array<i32>} : memref<3x16xf32, #tpu.memory_space<vmem>>, vector<1x16xf32>,
    %get3A_20 = vector.shape_cast %get3A_19 : vector<1x16xf32> to vector<16xf32>
    %get3A_21 = arith.constant 2 : i32
    %get3A_22 = arith.index_cast %get3A_21 : i32 to index
    %get3A_23 = arith.constant 0 : index
    %get3A_24 = tpu.vector_load %arg7[%get3A_22, %get3A_23] {strides = array<i32>} : memref<3x16xf32, #tpu.memory_space<vmem>>, vector<1x16xf32>,
    %get3A_25 = vector.shape_cast %get3A_24 : vector<1x16xf32> to vector<16xf32>
    %iota3A = tpu.iota {dimensions = array<i32: 0>} : vector<16xi32>
    %broadcast_in_dim3A = arith.constant 0x7F800000 : f32
    %broadcast_in_dim3A_26 = vector.broadcast %broadcast_in_dim3A : f32 to vector<16xf32>
    %broadcast_in_dim3A_27 = arith.constant 0.000000e+00 : f32
    %broadcast_in_dim3A_28 = vector.broadcast %broadcast_in_dim3A_27 : f32 to vector<16xf32>
    %dma_wait3A = arith.constant 0 : i32
    %dma_wait3A_29 = tpu.memref_slice %arg2[%mul3A_2, %dma_wait3A] : memref<1024x1024xf32, #tpu.memory_space<hbm>> -> memref<16x1024xf32, #tpu.memory_space<hbm>>
    %dma_wait3A_30 = arith.constant 0 : i32
    %dma_wait3A_31 = tpu.memref_slice %arg2[%mul3A_2, %dma_wait3A_30] : memref<1024x1024xf32, #tpu.memory_space<hbm>> -> memref<16x1024xf32, #tpu.memory_space<hbm>>
    tpu.wait_dma2 semaphore(%arg9 : memref<!tpu.dma_semaphore, #tpu.memory_space<semaphore_mem>>) src(%dma_wait3A_31 : memref<16x1024xf32, #tpu.memory_space<hbm>>) dst(%arg5 : memref<16x1024xf32, #tpu.memory_space<vmem>>)
    %scan3A = arith.constant 0 : i32
    %scan3A_32 = arith.constant 16 : i32
    %scan3A_33 = arith.addi %scan3A, %scan3A_32 : i32
    %scan3A_34 = arith.constant 1 : i32
    %scan3A_35 = scf.for %scan3A_65 = %scan3A to %scan3A_33 step %scan3A_34 iter_args(%scan3A_66 = %broadcast_in_dim3A_28) -> (vector<16xf32>)  : i32 {
      %get3A_67 = arith.index_cast %scan3A_65 : i32 to index
      %get3A_68 = arith.constant 0 : index
      %get3A_69 = tpu.vector_load %arg5[%get3A_67, %get3A_68] {strides = array<i32>} : memref<16x1024xf32, #tpu.memory_space<vmem>>, vector<1x16xf32>,
      %get3A_70 = vector.shape_cast %get3A_69 : vector<1x16xf32> to vector<16xf32>
      %min3A_71 = arith.minimumf %broadcast_in_dim3A_26, %get3A_70 : vector<16xf32>
      %get3A_72 = arith.index_cast %scan3A_65 : i32 to index
      %get3A_73 = arith.constant 16 : index
      %get3A_74 = tpu.vector_load %arg5[%get3A_72, %get3A_73] {strides = array<i32>} : memref<16x1024xf32, #tpu.memory_space<vmem>>, vector<1x16xf32>,
      %get3A_75 = vector.shape_cast %get3A_74 : vector<1x16xf32> to vector<16xf32>
      %min3A_76 = arith.minimumf %broadcast_in_dim3A_26, %get3A_75 : vector<16xf32>
      %get3A_77 = arith.index_cast %scan3A_65 : i32 to index
      %get3A_78 = arith.constant 32 : index
      %get3A_79 = tpu.vector_load %arg5[%get3A_77, %get3A_78] {strides = array<i32>} : memref<16x1024xf32, #tpu.memory_space<vmem>>, vector<1x16xf32>,
      %get3A_80 = vector.shape_cast %get3A_79 : vector<1x16xf32> to vector<16xf32>
      %min3A_81 = arith.minimumf %broadcast_in_dim3A_26, %get3A_80 : vector<16xf32>
      %get3A_82 = arith.index_cast %scan3A_65 : i32 to index
      %get3A_83 = arith.constant 48 : index
      %get3A_84 = tpu.vector_load %arg5[%get3A_82, %get3A_83] {strides = array<i32>} : memref<16x1024xf32, #tpu.memory_space<vmem>>, vector<1x16xf32>,
      %get3A_85 = vector.shape_cast %get3A_84 : vector<1x16xf32> to vector<16xf32>
      %min3A_86 = arith.minimumf %broadcast_in_dim3A_26, %get3A_85 : vector<16xf32>
      %get3A_87 = arith.index_cast %scan3A_65 : i32 to index
      %get3A_88 = arith.constant 64 : index
      %get3A_89 = tpu.vector_load %arg5[%get3A_87, %get3A_88] {strides = array<i32>} : memref<16x1024xf32, #tpu.memory_space<vmem>>, vector<1x16xf32>,
      %get3A_90 = vector.shape_cast %get3A_89 : vector<1x16xf32> to vector<16xf32>
      %min3A_91 = arith.minimumf %min3A_71, %get3A_90 : vector<16xf32>
      %get3A_92 = arith.index_cast %scan3A_65 : i32 to index
      %get3A_93 = arith.constant 80 : index
      %get3A_94 = tpu.vector_load %arg5[%get3A_92, %get3A_93] {strides = array<i32>} : memref<16x1024xf32, #tpu.memory_space<vmem>>, vector<1x16xf32>,
      %get3A_95 = vector.shape_cast %get3A_94 : vector<1x16xf32> to vector<16xf32>
      %min3A_96 = arith.minimumf %min3A_76, %get3A_95 : vector<16xf32>
      %get3A_97 = arith.index_cast %scan3A_65 : i32 to index
      %get3A_98 = arith.constant 96 : index
      %get3A_99 = tpu.vector_load %arg5[%get3A_97, %get3A_98] {strides = array<i32>} : memref<16x1024xf32, #tpu.memory_space<vmem>>, vector<1x16xf32>,
      %get3A_100 = vector.shape_cast %get3A_99 : vector<1x16xf32> to vector<16xf32>
      %min3A_101 = arith.minimumf %min3A_81, %get3A_100 : vector<16xf32>
      %get3A_102 = arith.index_cast %scan3A_65 : i32 to index
      %get3A_103 = arith.constant 112 : index
      %get3A_104 = tpu.vector_load %arg5[%get3A_102, %get3A_103] {strides = array<i32>} : memref<16x1024xf32, #tpu.memory_space<vmem>>, vector<1x16xf32>,
      %get3A_105 = vector.shape_cast %get3A_104 : vector<1x16xf32> to vector<16xf32>
      %min3A_106 = arith.minimumf %min3A_86, %get3A_105 : vector<16xf32>
      %get3A_107 = arith.index_cast %scan3A_65 : i32 to index
      %get3A_108 = arith.constant 128 : index
      %get3A_109 = tpu.vector_load %arg5[%get3A_107, %get3A_108] {strides = array<i32>} : memref<16x1024xf32, #tpu.memory_space<vmem>>, vector<1x16xf32>,
      %get3A_110 = vector.shape_cast %get3A_109 : vector<1x16xf32> to vector<16xf32>
      %min3A_111 = arith.minimumf %min3A_91, %get3A_110 : vector<16xf32>
      %get3A_112 = arith.index_cast %scan3A_65 : i32 to index
      %get3A_113 = arith.constant 144 : index
      %get3A_114 = tpu.vector_load %arg5[%get3A_112, %get3A_113] {strides = array<i32>} : memref<16x1024xf32, #tpu.memory_space<vmem>>, vector<1x16xf32>,
      %get3A_115 = vector.shape_cast %get3A_114 : vector<1x16xf32> to vector<16xf32>
      %min3A_116 = arith.minimumf %min3A_96, %get3A_115 : vector<16xf32>
      %get3A_117 = arith.index_cast %scan3A_65 : i32 to index
      %get3A_118 = arith.constant 160 : index
      %get3A_119 = tpu.vector_load %arg5[%get3A_117, %get3A_118] {strides = array<i32>} : memref<16x1024xf32, #tpu.memory_space<vmem>>, vector<1x16xf32>,
      %get3A_120 = vector.shape_cast %get3A_119 : vector<1x16xf32> to vector<16xf32>
      %min3A_121 = arith.minimumf %min3A_101, %get3A_120 : vector<16xf32>
      %get3A_122 = arith.index_cast %scan3A_65 : i32 to index
      %get3A_123 = arith.constant 176 : index
      %get3A_124 = tpu.vector_load %arg5[%get3A_122, %get3A_123] {strides = array<i32>} : memref<16x1024xf32, #tpu.memory_space<vmem>>, vector<1x16xf32>,
      %get3A_125 = vector.shape_cast %get3A_124 : vector<1x16xf32> to vector<16xf32>
      %min3A_126 = arith.minimumf %min3A_106, %get3A_125 : vector<16xf32>
      %get3A_127 = arith.index_cast %scan3A_65 : i32 to index
      %get3A_128 = arith.constant 192 : index
      %get3A_129 = tpu.vector_load %arg5[%get3A_127, %get3A_128] {strides = array<i32>} : memref<16x1024xf32, #tpu.memory_space<vmem>>, vector<1x16xf32>,
      %get3A_130 = vector.shape_cast %get3A_129 : vector<1x16xf32> to vector<16xf32>
      %min3A_131 = arith.minimumf %min3A_111, %get3A_130 : vector<16xf32>
      %get3A_132 = arith.index_cast %scan3A_65 : i32 to index
      %get3A_133 = arith.constant 208 : index
      %get3A_134 = tpu.vector_load %arg5[%get3A_132, %get3A_133] {strides = array<i32>} : memref<16x1024xf32, #tpu.memory_space<vmem>>, vector<1x16xf32>,
      %get3A_135 = vector.shape_cast %get3A_134 : vector<1x16xf32> to vector<16xf32>
      %min3A_136 = arith.minimumf %min3A_116, %get3A_135 : vector<16xf32>
      %get3A_137 = arith.index_cast %scan3A_65 : i32 to index
      %get3A_138 = arith.constant 224 : index
      %get3A_139 = tpu.vector_load %arg5[%get3A_137, %get3A_138] {strides = array<i32>} : memref<16x1024xf32, #tpu.memory_space<vmem>>, vector<1x16xf32>,
      %get3A_140 = vector.shape_cast %get3A_139 : vector<1x16xf32> to vector<16xf32>
      %min3A_141 = arith.minimumf %min3A_121, %get3A_140 : vector<16xf32>
      %get3A_142 = arith.index_cast %scan3A_65 : i32 to index
      %get3A_143 = arith.constant 240 : index
      %get3A_144 = tpu.vector_load %arg5[%get3A_142, %get3A_143] {strides = array<i32>} : memref<16x1024xf32, #tpu.memory_space<vmem>>, vector<1x16xf32>,
      %get3A_145 = vector.shape_cast %get3A_144 : vector<1x16xf32> to vector<16xf32>
      %min3A_146 = arith.minimumf %min3A_126, %get3A_145 : vector<16xf32>
      %get3A_147 = arith.index_cast %scan3A_65 : i32 to index
      %get3A_148 = arith.constant 256 : index
      %get3A_149 = tpu.vector_load %arg5[%get3A_147, %get3A_148] {strides = array<i32>} : memref<16x1024xf32, #tpu.memory_space<vmem>>, vector<1x16xf32>,
      %get3A_150 = vector.shape_cast %get3A_149 : vector<1x16xf32> to vector<16xf32>
      %min3A_151 = arith.minimumf %min3A_131, %get3A_150 : vector<16xf32>
      %get3A_152 = arith.index_cast %scan3A_65 : i32 to index
      %get3A_153 = arith.constant 272 : index
      %get3A_154 = tpu.vector_load %arg5[%get3A_152, %get3A_153] {strides = array<i32>} : memref<16x1024xf32, #tpu.memory_space<vmem>>, vector<1x16xf32>,
      %get3A_155 = vector.shape_cast %get3A_154 : vector<1x16xf32> to vector<16xf32>
      %min3A_156 = arith.minimumf %min3A_136, %get3A_155 : vector<16xf32>
      %get3A_157 = arith.index_cast %scan3A_65 : i32 to index
      %get3A_158 = arith.constant 288 : index
      %get3A_159 = tpu.vector_load %arg5[%get3A_157, %get3A_158] {strides = array<i32>} : memref<16x1024xf32, #tpu.memory_space<vmem>>, vector<1x16xf32>,
      %get3A_160 = vector.shape_cast %get3A_159 : vector<1x16xf32> to vector<16xf32>
      %min3A_161 = arith.minimumf %min3A_141, %get3A_160 : vector<16xf32>
      %get3A_162 = arith.index_cast %scan3A_65 : i32 to index
      %get3A_163 = arith.constant 304 : index
      %get3A_164 = tpu.vector_load %arg5[%get3A_162, %get3A_163] {strides = array<i32>} : memref<16x1024xf32, #tpu.memory_space<vmem>>, vector<1x16xf32>,
      %get3A_165 = vector.shape_cast %get3A_164 : vector<1x16xf32> to vector<16xf32>
      %min3A_166 = arith.minimumf %min3A_146, %get3A_165 : vector<16xf32>
      %get3A_167 = arith.index_cast %scan3A_65 : i32 to index
      %get3A_168 = arith.constant 320 : index
      %get3A_169 = tpu.vector_load %arg5[%get3A_167, %get3A_168] {strides = array<i32>} : memref<16x1024xf32, #tpu.memory_space<vmem>>, vector<1x16xf32>,
      %get3A_170 = vector.shape_cast %get3A_169 : vector<1x16xf32> to vector<16xf32>
      %min3A_171 = arith.minimumf %min3A_151, %get3A_170 : vector<16xf32>
      %get3A_172 = arith.index_cast %scan3A_65 : i32 to index
      %get3A_173 = arith.constant 336 : index
      %get3A_174 = tpu.vector_load %arg5[%get3A_172, %get3A_173] {strides = array<i32>} : memref<16x1024xf32, #tpu.memory_space<vmem>>, vector<1x16xf32>,
      %get3A_175 = vector.shape_cast %get3A_174 : vector<1x16xf32> to vector<16xf32>
      %min3A_176 = arith.minimumf %min3A_156, %get3A_175 : vector<16xf32>
      %get3A_177 = arith.index_cast %scan3A_65 : i32 to index
      %get3A_178 = arith.constant 352 : index
      %get3A_179 = tpu.vector_load %arg5[%get3A_177, %get3A_178] {strides = array<i32>} : memref<16x1024xf32, #tpu.memory_space<vmem>>, vector<1x16xf32>,
      %get3A_180 = vector.shape_cast %get3A_179 : vector<1x16xf32> to vector<16xf32>
      %min3A_181 = arith.minimumf %min3A_161, %get3A_180 : vector<16xf32>
      %get3A_182 = arith.index_cast %scan3A_65 : i32 to index
      %get3A_183 = arith.constant 368 : index
      %get3A_184 = tpu.vector_load %arg5[%get3A_182, %get3A_183] {strides = array<i32>} : memref<16x1024xf32, #tpu.memory_space<vmem>>, vector<1x16xf32>,
      %get3A_185 = vector.shape_cast %get3A_184 : vector<1x16xf32> to vector<16xf32>
      %min3A_186 = arith.minimumf %min3A_166, %get3A_185 : vector<16xf32>
      %get3A_187 = arith.index_cast %scan3A_65 : i32 to index
      %get3A_188 = arith.constant 384 : index
      %get3A_189 = tpu.vector_load %arg5[%get3A_187, %get3A_188] {strides = array<i32>} : memref<16x1024xf32, #tpu.memory_space<vmem>>, vector<1x16xf32>,
      %get3A_190 = vector.shape_cast %get3A_189 : vector<1x16xf32> to vector<16xf32>
      %min3A_191 = arith.minimumf %min3A_171, %get3A_190 : vector<16xf32>
      %get3A_192 = arith.index_cast %scan3A_65 : i32 to index
      %get3A_193 = arith.constant 400 : index
      %get3A_194 = tpu.vector_load %arg5[%get3A_192, %get3A_193] {strides = array<i32>} : memref<16x1024xf32, #tpu.memory_space<vmem>>, vector<1x16xf32>,
      %get3A_195 = vector.shape_cast %get3A_194 : vector<1x16xf32> to vector<16xf32>
      %min3A_196 = arith.minimumf %min3A_176, %get3A_195 : vector<16xf32>
      %get3A_197 = arith.index_cast %scan3A_65 : i32 to index
      %get3A_198 = arith.constant 416 : index
      %get3A_199 = tpu.vector_load %arg5[%get3A_197, %get3A_198] {strides = array<i32>} : memref<16x1024xf32, #tpu.memory_space<vmem>>, vector<1x16xf32>,
      %get3A_200 = vector.shape_cast %get3A_199 : vector<1x16xf32> to vector<16xf32>
      %min3A_201 = arith.minimumf %min3A_181, %get3A_200 : vector<16xf32>
      %get3A_202 = arith.index_cast %scan3A_65 : i32 to index
      %get3A_203 = arith.constant 432 : index
      %get3A_204 = tpu.vector_load %arg5[%get3A_202, %get3A_203] {strides = array<i32>} : memref<16x1024xf32, #tpu.memory_space<vmem>>, vector<1x16xf32>,
      %get3A_205 = vector.shape_cast %get3A_204 : vector<1x16xf32> to vector<16xf32>
      %min3A_206 = arith.minimumf %min3A_186, %get3A_205 : vector<16xf32>
      %get3A_207 = arith.index_cast %scan3A_65 : i32 to index
      %get3A_208 = arith.constant 448 : index
      %get3A_209 = tpu.vector_load %arg5[%get3A_207, %get3A_208] {strides = array<i32>} : memref<16x1024xf32, #tpu.memory_space<vmem>>, vector<1x16xf32>,
      %get3A_210 = vector.shape_cast %get3A_209 : vector<1x16xf32> to vector<16xf32>
      %min3A_211 = arith.minimumf %min3A_191, %get3A_210 : vector<16xf32>
      %get3A_212 = arith.index_cast %scan3A_65 : i32 to index
      %get3A_213 = arith.constant 464 : index
      %get3A_214 = tpu.vector_load %arg5[%get3A_212, %get3A_213] {strides = array<i32>} : memref<16x1024xf32, #tpu.memory_space<vmem>>, vector<1x16xf32>,
      %get3A_215 = vector.shape_cast %get3A_214 : vector<1x16xf32> to vector<16xf32>
      %min3A_216 = arith.minimumf %min3A_196, %get3A_215 : vector<16xf32>
      %get3A_217 = arith.index_cast %scan3A_65 : i32 to index
      %get3A_218 = arith.constant 480 : index
      %get3A_219 = tpu.vector_load %arg5[%get3A_217, %get3A_218] {strides = array<i32>} : memref<16x1024xf32, #tpu.memory_space<vmem>>, vector<1x16xf32>,
      %get3A_220 = vector.shape_cast %get3A_219 : vector<1x16xf32> to vector<16xf32>
      %min3A_221 = arith.minimumf %min3A_201, %get3A_220 : vector<16xf32>
      %get3A_222 = arith.index_cast %scan3A_65 : i32 to index
      %get3A_223 = arith.constant 496 : index
      %get3A_224 = tpu.vector_load %arg5[%get3A_222, %get3A_223] {strides = array<i32>} : memref<16x1024xf32, #tpu.memory_space<vmem>>, vector<1x16xf32>,
      %get3A_225 = vector.shape_cast %get3A_224 : vector<1x16xf32> to vector<16xf32>
      %min3A_226 = arith.minimumf %min3A_206, %get3A_225 : vector<16xf32>
      %get3A_227 = arith.index_cast %scan3A_65 : i32 to index
      %get3A_228 = arith.constant 512 : index
      %get3A_229 = tpu.vector_load %arg5[%get3A_227, %get3A_228] {strides = array<i32>} : memref<16x1024xf32, #tpu.memory_space<vmem>>, vector<1x16xf32>,
      %get3A_230 = vector.shape_cast %get3A_229 : vector<1x16xf32> to vector<16xf32>
      %min3A_231 = arith.minimumf %min3A_211, %get3A_230 : vector<16xf32>
      %get3A_232 = arith.index_cast %scan3A_65 : i32 to index
      %get3A_233 = arith.constant 528 : index
      %get3A_234 = tpu.vector_load %arg5[%get3A_232, %get3A_233] {strides = array<i32>} : memref<16x1024xf32, #tpu.memory_space<vmem>>, vector<1x16xf32>,
      %get3A_235 = vector.shape_cast %get3A_234 : vector<1x16xf32> to vector<16xf32>
      %min3A_236 = arith.minimumf %min3A_216, %get3A_235 : vector<16xf32>
      %get3A_237 = arith.index_cast %scan3A_65 : i32 to index
      %get3A_238 = arith.constant 544 : index
      %get3A_239 = tpu.vector_load %arg5[%get3A_237, %get3A_238] {strides = array<i32>} : memref<16x1024xf32, #tpu.memory_space<vmem>>, vector<1x16xf32>,
      %get3A_240 = vector.shape_cast %get3A_239 : vector<1x16xf32> to vector<16xf32>
      %min3A_241 = arith.minimumf %min3A_221, %get3A_240 : vector<16xf32>
      %get3A_242 = arith.index_cast %scan3A_65 : i32 to index
      %get3A_243 = arith.constant 560 : index
      %get3A_244 = tpu.vector_load %arg5[%get3A_242, %get3A_243] {strides = array<i32>} : memref<16x1024xf32, #tpu.memory_space<vmem>>, vector<1x16xf32>,
      %get3A_245 = vector.shape_cast %get3A_244 : vector<1x16xf32> to vector<16xf32>
      %min3A_246 = arith.minimumf %min3A_226, %get3A_245 : vector<16xf32>
      %get3A_247 = arith.index_cast %scan3A_65 : i32 to index
      %get3A_248 = arith.constant 576 : index
      %get3A_249 = tpu.vector_load %arg5[%get3A_247, %get3A_248] {strides = array<i32>} : memref<16x1024xf32, #tpu.memory_space<vmem>>, vector<1x16xf32>,
      %get3A_250 = vector.shape_cast %get3A_249 : vector<1x16xf32> to vector<16xf32>
      %min3A_251 = arith.minimumf %min3A_231, %get3A_250 : vector<16xf32>
      %get3A_252 = arith.index_cast %scan3A_65 : i32 to index
      %get3A_253 = arith.constant 592 : index
      %get3A_254 = tpu.vector_load %arg5[%get3A_252, %get3A_253] {strides = array<i32>} : memref<16x1024xf32, #tpu.memory_space<vmem>>, vector<1x16xf32>,
      %get3A_255 = vector.shape_cast %get3A_254 : vector<1x16xf32> to vector<16xf32>
      %min3A_256 = arith.minimumf %min3A_236, %get3A_255 : vector<16xf32>
      %get3A_257 = arith.index_cast %scan3A_65 : i32 to index
      %get3A_258 = arith.constant 608 : index
      %get3A_259 = tpu.vector_load %arg5[%get3A_257, %get3A_258] {strides = array<i32>} : memref<16x1024xf32, #tpu.memory_space<vmem>>, vector<1x16xf32>,
      %get3A_260 = vector.shape_cast %get3A_259 : vector<1x16xf32> to vector<16xf32>
      %min3A_261 = arith.minimumf %min3A_241, %get3A_260 : vector<16xf32>
      %get3A_262 = arith.index_cast %scan3A_65 : i32 to index
      %get3A_263 = arith.constant 624 : index
      %get3A_264 = tpu.vector_load %arg5[%get3A_262, %get3A_263] {strides = array<i32>} : memref<16x1024xf32, #tpu.memory_space<vmem>>, vector<1x16xf32>,
      %get3A_265 = vector.shape_cast %get3A_264 : vector<1x16xf32> to vector<16xf32>
      %min3A_266 = arith.minimumf %min3A_246, %get3A_265 : vector<16xf32>
      %get3A_267 = arith.index_cast %scan3A_65 : i32 to index
      %get3A_268 = arith.constant 640 : index
      %get3A_269 = tpu.vector_load %arg5[%get3A_267, %get3A_268] {strides = array<i32>} : memref<16x1024xf32, #tpu.memory_space<vmem>>, vector<1x16xf32>,
      %get3A_270 = vector.shape_cast %get3A_269 : vector<1x16xf32> to vector<16xf32>
      %min3A_271 = arith.minimumf %min3A_251, %get3A_270 : vector<16xf32>
      %get3A_272 = arith.index_cast %scan3A_65 : i32 to index
      %get3A_273 = arith.constant 656 : index
      %get3A_274 = tpu.vector_load %arg5[%get3A_272, %get3A_273] {strides = array<i32>} : memref<16x1024xf32, #tpu.memory_space<vmem>>, vector<1x16xf32>,
      %get3A_275 = vector.shape_cast %get3A_274 : vector<1x16xf32> to vector<16xf32>
      %min3A_276 = arith.minimumf %min3A_256, %get3A_275 : vector<16xf32>
      %get3A_277 = arith.index_cast %scan3A_65 : i32 to index
      %get3A_278 = arith.constant 672 : index
      %get3A_279 = tpu.vector_load %arg5[%get3A_277, %get3A_278] {strides = array<i32>} : memref<16x1024xf32, #tpu.memory_space<vmem>>, vector<1x16xf32>,
      %get3A_280 = vector.shape_cast %get3A_279 : vector<1x16xf32> to vector<16xf32>
      %min3A_281 = arith.minimumf %min3A_261, %get3A_280 : vector<16xf32>
      %get3A_282 = arith.index_cast %scan3A_65 : i32 to index
      %get3A_283 = arith.constant 688 : index
      %get3A_284 = tpu.vector_load %arg5[%get3A_282, %get3A_283] {strides = array<i32>} : memref<16x1024xf32, #tpu.memory_space<vmem>>, vector<1x16xf32>,
      %get3A_285 = vector.shape_cast %get3A_284 : vector<1x16xf32> to vector<16xf32>
      %min3A_286 = arith.minimumf %min3A_266, %get3A_285 : vector<16xf32>
      %get3A_287 = arith.index_cast %scan3A_65 : i32 to index
      %get3A_288 = arith.constant 704 : index
      %get3A_289 = tpu.vector_load %arg5[%get3A_287, %get3A_288] {strides = array<i32>} : memref<16x1024xf32, #tpu.memory_space<vmem>>, vector<1x16xf32>,
      %get3A_290 = vector.shape_cast %get3A_289 : vector<1x16xf32> to vector<16xf32>
      %min3A_291 = arith.minimumf %min3A_271, %get3A_290 : vector<16xf32>
      %get3A_292 = arith.index_cast %scan3A_65 : i32 to index
      %get3A_293 = arith.constant 720 : index
      %get3A_294 = tpu.vector_load %arg5[%get3A_292, %get3A_293] {strides = array<i32>} : memref<16x1024xf32, #tpu.memory_space<vmem>>, vector<1x16xf32>,
      %get3A_295 = vector.shape_cast %get3A_294 : vector<1x16xf32> to vector<16xf32>
      %min3A_296 = arith.minimumf %min3A_276, %get3A_295 : vector<16xf32>
      %get3A_297 = arith.index_cast %scan3A_65 : i32 to index
      %get3A_298 = arith.constant 736 : index
      %get3A_299 = tpu.vector_load %arg5[%get3A_297, %get3A_298] {strides = array<i32>} : memref<16x1024xf32, #tpu.memory_space<vmem>>, vector<1x16xf32>,
      %get3A_300 = vector.shape_cast %get3A_299 : vector<1x16xf32> to vector<16xf32>
      %min3A_301 = arith.minimumf %min3A_281, %get3A_300 : vector<16xf32>
      %get3A_302 = arith.index_cast %scan3A_65 : i32 to index
      %get3A_303 = arith.constant 752 : index
      %get3A_304 = tpu.vector_load %arg5[%get3A_302, %get3A_303] {strides = array<i32>} : memref<16x1024xf32, #tpu.memory_space<vmem>>, vector<1x16xf32>,
      %get3A_305 = vector.shape_cast %get3A_304 : vector<1x16xf32> to vector<16xf32>
      %min3A_306 = arith.minimumf %min3A_286, %get3A_305 : vector<16xf32>
      %get3A_307 = arith.index_cast %scan3A_65 : i32 to index
      %get3A_308 = arith.constant 768 : index
      %get3A_309 = tpu.vector_load %arg5[%get3A_307, %get3A_308] {strides = array<i32>} : memref<16x1024xf32, #tpu.memory_space<vmem>>, vector<1x16xf32>,
      %get3A_310 = vector.shape_cast %get3A_309 : vector<1x16xf32> to vector<16xf32>
      %min3A_311 = arith.minimumf %min3A_291, %get3A_310 : vector<16xf32>
      %get3A_312 = arith.index_cast %scan3A_65 : i32 to index
      %get3A_313 = arith.constant 784 : index
      %get3A_314 = tpu.vector_load %arg5[%get3A_312, %get3A_313] {strides = array<i32>} : memref<16x1024xf32, #tpu.memory_space<vmem>>, vector<1x16xf32>,
      %get3A_315 = vector.shape_cast %get3A_314 : vector<1x16xf32> to vector<16xf32>
      %min3A_316 = arith.minimumf %min3A_296, %get3A_315 : vector<16xf32>
      %get3A_317 = arith.index_cast %scan3A_65 : i32 to index
      %get3A_318 = arith.constant 800 : index
      %get3A_319 = tpu.vector_load %arg5[%get3A_317, %get3A_318] {strides = array<i32>} : memref<16x1024xf32, #tpu.memory_space<vmem>>, vector<1x16xf32>,
      %get3A_320 = vector.shape_cast %get3A_319 : vector<1x16xf32> to vector<16xf32>
      %min3A_321 = arith.minimumf %min3A_301, %get3A_320 : vector<16xf32>
      %get3A_322 = arith.index_cast %scan3A_65 : i32 to index
      %get3A_323 = arith.constant 816 : index
      %get3A_324 = tpu.vector_load %arg5[%get3A_322, %get3A_323] {strides = array<i32>} : memref<16x1024xf32, #tpu.memory_space<vmem>>, vector<1x16xf32>,
      %get3A_325 = vector.shape_cast %get3A_324 : vector<1x16xf32> to vector<16xf32>
      %min3A_326 = arith.minimumf %min3A_306, %get3A_325 : vector<16xf32>
      %get3A_327 = arith.index_cast %scan3A_65 : i32 to index
      %get3A_328 = arith.constant 832 : index
      %get3A_329 = tpu.vector_load %arg5[%get3A_327, %get3A_328] {strides = array<i32>} : memref<16x1024xf32, #tpu.memory_space<vmem>>, vector<1x16xf32>,
      %get3A_330 = vector.shape_cast %get3A_329 : vector<1x16xf32> to vector<16xf32>
      %min3A_331 = arith.minimumf %min3A_311, %get3A_330 : vector<16xf32>
      %get3A_332 = arith.index_cast %scan3A_65 : i32 to index
      %get3A_333 = arith.constant 848 : index
      %get3A_334 = tpu.vector_load %arg5[%get3A_332, %get3A_333] {strides = array<i32>} : memref<16x1024xf32, #tpu.memory_space<vmem>>, vector<1x16xf32>,
      %get3A_335 = vector.shape_cast %get3A_334 : vector<1x16xf32> to vector<16xf32>
      %min3A_336 = arith.minimumf %min3A_316, %get3A_335 : vector<16xf32>
      %get3A_337 = arith.index_cast %scan3A_65 : i32 to index
      %get3A_338 = arith.constant 864 : index
      %get3A_339 = tpu.vector_load %arg5[%get3A_337, %get3A_338] {strides = array<i32>} : memref<16x1024xf32, #tpu.memory_space<vmem>>, vector<1x16xf32>,
      %get3A_340 = vector.shape_cast %get3A_339 : vector<1x16xf32> to vector<16xf32>
      %min3A_341 = arith.minimumf %min3A_321, %get3A_340 : vector<16xf32>
      %get3A_342 = arith.index_cast %scan3A_65 : i32 to index
      %get3A_343 = arith.constant 880 : index
      %get3A_344 = tpu.vector_load %arg5[%get3A_342, %get3A_343] {strides = array<i32>} : memref<16x1024xf32, #tpu.memory_space<vmem>>, vector<1x16xf32>,
      %get3A_345 = vector.shape_cast %get3A_344 : vector<1x16xf32> to vector<16xf32>
      %min3A_346 = arith.minimumf %min3A_326, %get3A_345 : vector<16xf32>
      %get3A_347 = arith.index_cast %scan3A_65 : i32 to index
      %get3A_348 = arith.constant 896 : index
      %get3A_349 = tpu.vector_load %arg5[%get3A_347, %get3A_348] {strides = array<i32>} : memref<16x1024xf32, #tpu.memory_space<vmem>>, vector<1x16xf32>,
      %get3A_350 = vector.shape_cast %get3A_349 : vector<1x16xf32> to vector<16xf32>
      %min3A_351 = arith.minimumf %min3A_331, %get3A_350 : vector<16xf32>
      %get3A_352 = arith.index_cast %scan3A_65 : i32 to index
      %get3A_353 = arith.constant 912 : index
      %get3A_354 = tpu.vector_load %arg5[%get3A_352, %get3A_353] {strides = array<i32>} : memref<16x1024xf32, #tpu.memory_space<vmem>>, vector<1x16xf32>,
      %get3A_355 = vector.shape_cast %get3A_354 : vector<1x16xf32> to vector<16xf32>
      %min3A_356 = arith.minimumf %min3A_336, %get3A_355 : vector<16xf32>
      %get3A_357 = arith.index_cast %scan3A_65 : i32 to index
      %get3A_358 = arith.constant 928 : index
      %get3A_359 = tpu.vector_load %arg5[%get3A_357, %get3A_358] {strides = array<i32>} : memref<16x1024xf32, #tpu.memory_space<vmem>>, vector<1x16xf32>,
      %get3A_360 = vector.shape_cast %get3A_359 : vector<1x16xf32> to vector<16xf32>
      %min3A_361 = arith.minimumf %min3A_341, %get3A_360 : vector<16xf32>
      %get3A_362 = arith.index_cast %scan3A_65 : i32 to index
      %get3A_363 = arith.constant 944 : index
      %get3A_364 = tpu.vector_load %arg5[%get3A_362, %get3A_363] {strides = array<i32>} : memref<16x1024xf32, #tpu.memory_space<vmem>>, vector<1x16xf32>,
      %get3A_365 = vector.shape_cast %get3A_364 : vector<1x16xf32> to vector<16xf32>
      %min3A_366 = arith.minimumf %min3A_346, %get3A_365 : vector<16xf32>
      %get3A_367 = arith.index_cast %scan3A_65 : i32 to index
      %get3A_368 = arith.constant 960 : index
      %get3A_369 = tpu.vector_load %arg5[%get3A_367, %get3A_368] {strides = array<i32>} : memref<16x1024xf32, #tpu.memory_space<vmem>>, vector<1x16xf32>,
      %get3A_370 = vector.shape_cast %get3A_369 : vector<1x16xf32> to vector<16xf32>
      %min3A_371 = arith.minimumf %min3A_351, %get3A_370 : vector<16xf32>
      %get3A_372 = arith.index_cast %scan3A_65 : i32 to index
      %get3A_373 = arith.constant 976 : index
      %get3A_374 = tpu.vector_load %arg5[%get3A_372, %get3A_373] {strides = array<i32>} : memref<16x1024xf32, #tpu.memory_space<vmem>>, vector<1x16xf32>,
      %get3A_375 = vector.shape_cast %get3A_374 : vector<1x16xf32> to vector<16xf32>
      %min3A_376 = arith.minimumf %min3A_356, %get3A_375 : vector<16xf32>
      %get3A_377 = arith.index_cast %scan3A_65 : i32 to index
      %get3A_378 = arith.constant 992 : index
      %get3A_379 = tpu.vector_load %arg5[%get3A_377, %get3A_378] {strides = array<i32>} : memref<16x1024xf32, #tpu.memory_space<vmem>>, vector<1x16xf32>,
      %get3A_380 = vector.shape_cast %get3A_379 : vector<1x16xf32> to vector<16xf32>
      %min3A_381 = arith.minimumf %min3A_361, %get3A_380 : vector<16xf32>
      %get3A_382 = arith.index_cast %scan3A_65 : i32 to index
      %get3A_383 = arith.constant 1008 : index
      %get3A_384 = tpu.vector_load %arg5[%get3A_382, %get3A_383] {strides = array<i32>} : memref<16x1024xf32, #tpu.memory_space<vmem>>, vector<1x16xf32>,
      %get3A_385 = vector.shape_cast %get3A_384 : vector<1x16xf32> to vector<16xf32>
      %min3A_386 = arith.minimumf %min3A_366, %get3A_385 : vector<16xf32>
      %min3A_387 = arith.minimumf %min3A_371, %min3A_376 : vector<16xf32>
      %min3A_388 = arith.minimumf %min3A_381, %min3A_386 : vector<16xf32>
      %min3A_389 = arith.minimumf %min3A_387, %min3A_388 : vector<16xf32>
      %xor3A = arith.constant 8 : i32
      %xor3A_390 = vector.broadcast %xor3A : i32 to vector<16xi32>
      %xor3A_391 = arith.xori %iota3A, %xor3A_390 : vector<16xi32>
      %broadcast_in_dim3A_392 = vector.shape_cast %xor3A_391 : vector<16xi32> to vector<16x1xi32>
      %gather3A = vector.shape_cast %broadcast_in_dim3A_392 : vector<16x1xi32> to vector<16xi32>
      %gather3A_393 = tpu.dynamic_gather %min3A_389[%gather3A] in [0] : vector<16xf32>, vector<16xi32> -> vector<16xf32>
      %min3A_394 = arith.minimumf %min3A_389, %gather3A_393 : vector<16xf32>
      %xor3A_395 = arith.constant 4 : i32
      %xor3A_396 = vector.broadcast %xor3A_395 : i32 to vector<16xi32>
      %xor3A_397 = arith.xori %iota3A, %xor3A_396 : vector<16xi32>
      %broadcast_in_dim3A_398 = vector.shape_cast %xor3A_397 : vector<16xi32> to vector<16x1xi32>
      %gather3A_399 = vector.shape_cast %broadcast_in_dim3A_398 : vector<16x1xi32> to vector<16xi32>
      %gather3A_400 = tpu.dynamic_gather %min3A_394[%gather3A_399] in [0] : vector<16xf32>, vector<16xi32> -> vector<16xf32>
      %min3A_401 = arith.minimumf %min3A_394, %gather3A_400 : vector<16xf32>
      %xor3A_402 = arith.constant 2 : i32
      %xor3A_403 = vector.broadcast %xor3A_402 : i32 to vector<16xi32>
      %xor3A_404 = arith.xori %iota3A, %xor3A_403 : vector<16xi32>
      %broadcast_in_dim3A_405 = vector.shape_cast %xor3A_404 : vector<16xi32> to vector<16x1xi32>
      %gather3A_406 = vector.shape_cast %broadcast_in_dim3A_405 : vector<16x1xi32> to vector<16xi32>
      %gather3A_407 = tpu.dynamic_gather %min3A_401[%gather3A_406] in [0] : vector<16xf32>, vector<16xi32> -> vector<16xf32>
      %min3A_408 = arith.minimumf %min3A_401, %gather3A_407 : vector<16xf32>
      %xor3A_409 = arith.constant 1 : i32
      %xor3A_410 = vector.broadcast %xor3A_409 : i32 to vector<16xi32>
      %xor3A_411 = arith.xori %iota3A, %xor3A_410 : vector<16xi32>
      %broadcast_in_dim3A_412 = vector.shape_cast %xor3A_411 : vector<16xi32> to vector<16x1xi32>
      %gather3A_413 = vector.shape_cast %broadcast_in_dim3A_412 : vector<16x1xi32> to vector<16xi32>
      %gather3A_414 = tpu.dynamic_gather %min3A_408[%gather3A_413] in [0] : vector<16xf32>, vector<16xi32> -> vector<16xf32>
      %min3A_415 = arith.minimumf %min3A_408, %gather3A_414 : vector<16xf32>
      %eq3A = vector.broadcast %scan3A_65 : i32 to vector<16xi32>
      %eq3A_416 = arith.cmpi eq, %iota3A, %eq3A : vector<16xi32>
      %select_n3A = arith.select %eq3A_416, %min3A_415, %scan3A_66 : vector<16xi1>, vector<16xf32>
      scf.yield %select_n3A : vector<16xf32>
    }
    %scan3A_36 = arith.constant 16 : i32
    %dma_wait3A_37 = arith.constant 0 : i32
    %dma_wait3A_38 = tpu.memref_slice %arg2[%add3A_7, %dma_wait3A_37] : memref<1024x1024xf32, #tpu.memory_space<hbm>> -> memref<16x1024xf32, #tpu.memory_space<hbm>>
    %dma_wait3A_39 = arith.constant 0 : i32
    %dma_wait3A_40 = tpu.memref_slice %arg2[%add3A_7, %dma_wait3A_39] : memref<1024x1024xf32, #tpu.memory_space<hbm>> -> memref<16x1024xf32, #tpu.memory_space<hbm>>
    tpu.wait_dma2 semaphore(%arg10 : memref<!tpu.dma_semaphore, #tpu.memory_space<semaphore_mem>>) src(%dma_wait3A_40 : memref<16x1024xf32, #tpu.memory_space<hbm>>) dst(%arg6 : memref<16x1024xf32, #tpu.memory_space<vmem>>)
    %scan3A_41 = arith.constant 0 : i32
    %scan3A_42 = arith.constant 16 : i32
    %scan3A_43 = arith.addi %scan3A_41, %scan3A_42 : i32
    %scan3A_44 = arith.constant 1 : i32
    %scan3A_45 = scf.for %scan3A_65 = %scan3A_41 to %scan3A_43 step %scan3A_44 iter_args(%scan3A_66 = %broadcast_in_dim3A_28) -> (vector<16xf32>)  : i32 {
      %get3A_67 = arith.index_cast %scan3A_65 : i32 to index
      %get3A_68 = arith.constant 0 : index
      %get3A_69 = tpu.vector_load %arg6[%get3A_67, %get3A_68] {strides = array<i32>} : memref<16x1024xf32, #tpu.memory_space<vmem>>, vector<1x16xf32>,
      %get3A_70 = vector.shape_cast %get3A_69 : vector<1x16xf32> to vector<16xf32>
      %min3A_71 = arith.minimumf %broadcast_in_dim3A_26, %get3A_70 : vector<16xf32>
      %get3A_72 = arith.index_cast %scan3A_65 : i32 to index
      %get3A_73 = arith.constant 16 : index
      %get3A_74 = tpu.vector_load %arg6[%get3A_72, %get3A_73] {strides = array<i32>} : memref<16x1024xf32, #tpu.memory_space<vmem>>, vector<1x16xf32>,
      %get3A_75 = vector.shape_cast %get3A_74 : vector<1x16xf32> to vector<16xf32>
      %min3A_76 = arith.minimumf %broadcast_in_dim3A_26, %get3A_75 : vector<16xf32>
      %get3A_77 = arith.index_cast %scan3A_65 : i32 to index
      %get3A_78 = arith.constant 32 : index
      %get3A_79 = tpu.vector_load %arg6[%get3A_77, %get3A_78] {strides = array<i32>} : memref<16x1024xf32, #tpu.memory_space<vmem>>, vector<1x16xf32>,
      %get3A_80 = vector.shape_cast %get3A_79 : vector<1x16xf32> to vector<16xf32>
      %min3A_81 = arith.minimumf %broadcast_in_dim3A_26, %get3A_80 : vector<16xf32>
      %get3A_82 = arith.index_cast %scan3A_65 : i32 to index
      %get3A_83 = arith.constant 48 : index
      %get3A_84 = tpu.vector_load %arg6[%get3A_82, %get3A_83] {strides = array<i32>} : memref<16x1024xf32, #tpu.memory_space<vmem>>, vector<1x16xf32>,
      %get3A_85 = vector.shape_cast %get3A_84 : vector<1x16xf32> to vector<16xf32>
      %min3A_86 = arith.minimumf %broadcast_in_dim3A_26, %get3A_85 : vector<16xf32>
      %get3A_87 = arith.index_cast %scan3A_65 : i32 to index
      %get3A_88 = arith.constant 64 : index
      %get3A_89 = tpu.vector_load %arg6[%get3A_87, %get3A_88] {strides = array<i32>} : memref<16x1024xf32, #tpu.memory_space<vmem>>, vector<1x16xf32>,
      %get3A_90 = vector.shape_cast %get3A_89 : vector<1x16xf32> to vector<16xf32>
      %min3A_91 = arith.minimumf %min3A_71, %get3A_90 : vector<16xf32>
      %get3A_92 = arith.index_cast %scan3A_65 : i32 to index
      %get3A_93 = arith.constant 80 : index
      %get3A_94 = tpu.vector_load %arg6[%get3A_92, %get3A_93] {strides = array<i32>} : memref<16x1024xf32, #tpu.memory_space<vmem>>, vector<1x16xf32>,
      %get3A_95 = vector.shape_cast %get3A_94 : vector<1x16xf32> to vector<16xf32>
      %min3A_96 = arith.minimumf %min3A_76, %get3A_95 : vector<16xf32>
      %get3A_97 = arith.index_cast %scan3A_65 : i32 to index
      %get3A_98 = arith.constant 96 : index
      %get3A_99 = tpu.vector_load %arg6[%get3A_97, %get3A_98] {strides = array<i32>} : memref<16x1024xf32, #tpu.memory_space<vmem>>, vector<1x16xf32>,
      %get3A_100 = vector.shape_cast %get3A_99 : vector<1x16xf32> to vector<16xf32>
      %min3A_101 = arith.minimumf %min3A_81, %get3A_100 : vector<16xf32>
      %get3A_102 = arith.index_cast %scan3A_65 : i32 to index
      %get3A_103 = arith.constant 112 : index
      %get3A_104 = tpu.vector_load %arg6[%get3A_102, %get3A_103] {strides = array<i32>} : memref<16x1024xf32, #tpu.memory_space<vmem>>, vector<1x16xf32>,
      %get3A_105 = vector.shape_cast %get3A_104 : vector<1x16xf32> to vector<16xf32>
      %min3A_106 = arith.minimumf %min3A_86, %get3A_105 : vector<16xf32>
      %get3A_107 = arith.index_cast %scan3A_65 : i32 to index
      %get3A_108 = arith.constant 128 : index
      %get3A_109 = tpu.vector_load %arg6[%get3A_107, %get3A_108] {strides = array<i32>} : memref<16x1024xf32, #tpu.memory_space<vmem>>, vector<1x16xf32>,
      %get3A_110 = vector.shape_cast %get3A_109 : vector<1x16xf32> to vector<16xf32>
      %min3A_111 = arith.minimumf %min3A_91, %get3A_110 : vector<16xf32>
      %get3A_112 = arith.index_cast %scan3A_65 : i32 to index
      %get3A_113 = arith.constant 144 : index
      %get3A_114 = tpu.vector_load %arg6[%get3A_112, %get3A_113] {strides = array<i32>} : memref<16x1024xf32, #tpu.memory_space<vmem>>, vector<1x16xf32>,
      %get3A_115 = vector.shape_cast %get3A_114 : vector<1x16xf32> to vector<16xf32>
      %min3A_116 = arith.minimumf %min3A_96, %get3A_115 : vector<16xf32>
      %get3A_117 = arith.index_cast %scan3A_65 : i32 to index
      %get3A_118 = arith.constant 160 : index
      %get3A_119 = tpu.vector_load %arg6[%get3A_117, %get3A_118] {strides = array<i32>} : memref<16x1024xf32, #tpu.memory_space<vmem>>, vector<1x16xf32>,
      %get3A_120 = vector.shape_cast %get3A_119 : vector<1x16xf32> to vector<16xf32>
      %min3A_121 = arith.minimumf %min3A_101, %get3A_120 : vector<16xf32>
      %get3A_122 = arith.index_cast %scan3A_65 : i32 to index
      %get3A_123 = arith.constant 176 : index
      %get3A_124 = tpu.vector_load %arg6[%get3A_122, %get3A_123] {strides = array<i32>} : memref<16x1024xf32, #tpu.memory_space<vmem>>, vector<1x16xf32>,
      %get3A_125 = vector.shape_cast %get3A_124 : vector<1x16xf32> to vector<16xf32>
      %min3A_126 = arith.minimumf %min3A_106, %get3A_125 : vector<16xf32>
      %get3A_127 = arith.index_cast %scan3A_65 : i32 to index
      %get3A_128 = arith.constant 192 : index
      %get3A_129 = tpu.vector_load %arg6[%get3A_127, %get3A_128] {strides = array<i32>} : memref<16x1024xf32, #tpu.memory_space<vmem>>, vector<1x16xf32>,
      %get3A_130 = vector.shape_cast %get3A_129 : vector<1x16xf32> to vector<16xf32>
      %min3A_131 = arith.minimumf %min3A_111, %get3A_130 : vector<16xf32>
      %get3A_132 = arith.index_cast %scan3A_65 : i32 to index
      %get3A_133 = arith.constant 208 : index
      %get3A_134 = tpu.vector_load %arg6[%get3A_132, %get3A_133] {strides = array<i32>} : memref<16x1024xf32, #tpu.memory_space<vmem>>, vector<1x16xf32>,
      %get3A_135 = vector.shape_cast %get3A_134 : vector<1x16xf32> to vector<16xf32>
      %min3A_136 = arith.minimumf %min3A_116, %get3A_135 : vector<16xf32>
      %get3A_137 = arith.index_cast %scan3A_65 : i32 to index
      %get3A_138 = arith.constant 224 : index
      %get3A_139 = tpu.vector_load %arg6[%get3A_137, %get3A_138] {strides = array<i32>} : memref<16x1024xf32, #tpu.memory_space<vmem>>, vector<1x16xf32>,
      %get3A_140 = vector.shape_cast %get3A_139 : vector<1x16xf32> to vector<16xf32>
      %min3A_141 = arith.minimumf %min3A_121, %get3A_140 : vector<16xf32>
      %get3A_142 = arith.index_cast %scan3A_65 : i32 to index
      %get3A_143 = arith.constant 240 : index
      %get3A_144 = tpu.vector_load %arg6[%get3A_142, %get3A_143] {strides = array<i32>} : memref<16x1024xf32, #tpu.memory_space<vmem>>, vector<1x16xf32>,
      %get3A_145 = vector.shape_cast %get3A_144 : vector<1x16xf32> to vector<16xf32>
      %min3A_146 = arith.minimumf %min3A_126, %get3A_145 : vector<16xf32>
      %get3A_147 = arith.index_cast %scan3A_65 : i32 to index
      %get3A_148 = arith.constant 256 : index
      %get3A_149 = tpu.vector_load %arg6[%get3A_147, %get3A_148] {strides = array<i32>} : memref<16x1024xf32, #tpu.memory_space<vmem>>, vector<1x16xf32>,
      %get3A_150 = vector.shape_cast %get3A_149 : vector<1x16xf32> to vector<16xf32>
      %min3A_151 = arith.minimumf %min3A_131, %get3A_150 : vector<16xf32>
      %get3A_152 = arith.index_cast %scan3A_65 : i32 to index
      %get3A_153 = arith.constant 272 : index
      %get3A_154 = tpu.vector_load %arg6[%get3A_152, %get3A_153] {strides = array<i32>} : memref<16x1024xf32, #tpu.memory_space<vmem>>, vector<1x16xf32>,
      %get3A_155 = vector.shape_cast %get3A_154 : vector<1x16xf32> to vector<16xf32>
      %min3A_156 = arith.minimumf %min3A_136, %get3A_155 : vector<16xf32>
      %get3A_157 = arith.index_cast %scan3A_65 : i32 to index
      %get3A_158 = arith.constant 288 : index
      %get3A_159 = tpu.vector_load %arg6[%get3A_157, %get3A_158] {strides = array<i32>} : memref<16x1024xf32, #tpu.memory_space<vmem>>, vector<1x16xf32>,
      %get3A_160 = vector.shape_cast %get3A_159 : vector<1x16xf32> to vector<16xf32>
      %min3A_161 = arith.minimumf %min3A_141, %get3A_160 : vector<16xf32>
      %get3A_162 = arith.index_cast %scan3A_65 : i32 to index
      %get3A_163 = arith.constant 304 : index
      %get3A_164 = tpu.vector_load %arg6[%get3A_162, %get3A_163] {strides = array<i32>} : memref<16x1024xf32, #tpu.memory_space<vmem>>, vector<1x16xf32>,
      %get3A_165 = vector.shape_cast %get3A_164 : vector<1x16xf32> to vector<16xf32>
      %min3A_166 = arith.minimumf %min3A_146, %get3A_165 : vector<16xf32>
      %get3A_167 = arith.index_cast %scan3A_65 : i32 to index
      %get3A_168 = arith.constant 320 : index
      %get3A_169 = tpu.vector_load %arg6[%get3A_167, %get3A_168] {strides = array<i32>} : memref<16x1024xf32, #tpu.memory_space<vmem>>, vector<1x16xf32>,
      %get3A_170 = vector.shape_cast %get3A_169 : vector<1x16xf32> to vector<16xf32>
      %min3A_171 = arith.minimumf %min3A_151, %get3A_170 : vector<16xf32>
      %get3A_172 = arith.index_cast %scan3A_65 : i32 to index
      %get3A_173 = arith.constant 336 : index
      %get3A_174 = tpu.vector_load %arg6[%get3A_172, %get3A_173] {strides = array<i32>} : memref<16x1024xf32, #tpu.memory_space<vmem>>, vector<1x16xf32>,
      %get3A_175 = vector.shape_cast %get3A_174 : vector<1x16xf32> to vector<16xf32>
      %min3A_176 = arith.minimumf %min3A_156, %get3A_175 : vector<16xf32>
      %get3A_177 = arith.index_cast %scan3A_65 : i32 to index
      %get3A_178 = arith.constant 352 : index
      %get3A_179 = tpu.vector_load %arg6[%get3A_177, %get3A_178] {strides = array<i32>} : memref<16x1024xf32, #tpu.memory_space<vmem>>, vector<1x16xf32>,
      %get3A_180 = vector.shape_cast %get3A_179 : vector<1x16xf32> to vector<16xf32>
      %min3A_181 = arith.minimumf %min3A_161, %get3A_180 : vector<16xf32>
      %get3A_182 = arith.index_cast %scan3A_65 : i32 to index
      %get3A_183 = arith.constant 368 : index
      %get3A_184 = tpu.vector_load %arg6[%get3A_182, %get3A_183] {strides = array<i32>} : memref<16x1024xf32, #tpu.memory_space<vmem>>, vector<1x16xf32>,
      %get3A_185 = vector.shape_cast %get3A_184 : vector<1x16xf32> to vector<16xf32>
      %min3A_186 = arith.minimumf %min3A_166, %get3A_185 : vector<16xf32>
      %get3A_187 = arith.index_cast %scan3A_65 : i32 to index
      %get3A_188 = arith.constant 384 : index
      %get3A_189 = tpu.vector_load %arg6[%get3A_187, %get3A_188] {strides = array<i32>} : memref<16x1024xf32, #tpu.memory_space<vmem>>, vector<1x16xf32>,
      %get3A_190 = vector.shape_cast %get3A_189 : vector<1x16xf32> to vector<16xf32>
      %min3A_191 = arith.minimumf %min3A_171, %get3A_190 : vector<16xf32>
      %get3A_192 = arith.index_cast %scan3A_65 : i32 to index
      %get3A_193 = arith.constant 400 : index
      %get3A_194 = tpu.vector_load %arg6[%get3A_192, %get3A_193] {strides = array<i32>} : memref<16x1024xf32, #tpu.memory_space<vmem>>, vector<1x16xf32>,
      %get3A_195 = vector.shape_cast %get3A_194 : vector<1x16xf32> to vector<16xf32>
      %min3A_196 = arith.minimumf %min3A_176, %get3A_195 : vector<16xf32>
      %get3A_197 = arith.index_cast %scan3A_65 : i32 to index
      %get3A_198 = arith.constant 416 : index
      %get3A_199 = tpu.vector_load %arg6[%get3A_197, %get3A_198] {strides = array<i32>} : memref<16x1024xf32, #tpu.memory_space<vmem>>, vector<1x16xf32>,
      %get3A_200 = vector.shape_cast %get3A_199 : vector<1x16xf32> to vector<16xf32>
      %min3A_201 = arith.minimumf %min3A_181, %get3A_200 : vector<16xf32>
      %get3A_202 = arith.index_cast %scan3A_65 : i32 to index
      %get3A_203 = arith.constant 432 : index
      %get3A_204 = tpu.vector_load %arg6[%get3A_202, %get3A_203] {strides = array<i32>} : memref<16x1024xf32, #tpu.memory_space<vmem>>, vector<1x16xf32>,
      %get3A_205 = vector.shape_cast %get3A_204 : vector<1x16xf32> to vector<16xf32>
      %min3A_206 = arith.minimumf %min3A_186, %get3A_205 : vector<16xf32>
      %get3A_207 = arith.index_cast %scan3A_65 : i32 to index
      %get3A_208 = arith.constant 448 : index
      %get3A_209 = tpu.vector_load %arg6[%get3A_207, %get3A_208] {strides = array<i32>} : memref<16x1024xf32, #tpu.memory_space<vmem>>, vector<1x16xf32>,
      %get3A_210 = vector.shape_cast %get3A_209 : vector<1x16xf32> to vector<16xf32>
      %min3A_211 = arith.minimumf %min3A_191, %get3A_210 : vector<16xf32>
      %get3A_212 = arith.index_cast %scan3A_65 : i32 to index
      %get3A_213 = arith.constant 464 : index
      %get3A_214 = tpu.vector_load %arg6[%get3A_212, %get3A_213] {strides = array<i32>} : memref<16x1024xf32, #tpu.memory_space<vmem>>, vector<1x16xf32>,
      %get3A_215 = vector.shape_cast %get3A_214 : vector<1x16xf32> to vector<16xf32>
      %min3A_216 = arith.minimumf %min3A_196, %get3A_215 : vector<16xf32>
      %get3A_217 = arith.index_cast %scan3A_65 : i32 to index
      %get3A_218 = arith.constant 480 : index
      %get3A_219 = tpu.vector_load %arg6[%get3A_217, %get3A_218] {strides = array<i32>} : memref<16x1024xf32, #tpu.memory_space<vmem>>, vector<1x16xf32>,
      %get3A_220 = vector.shape_cast %get3A_219 : vector<1x16xf32> to vector<16xf32>
      %min3A_221 = arith.minimumf %min3A_201, %get3A_220 : vector<16xf32>
      %get3A_222 = arith.index_cast %scan3A_65 : i32 to index
      %get3A_223 = arith.constant 496 : index
      %get3A_224 = tpu.vector_load %arg6[%get3A_222, %get3A_223] {strides = array<i32>} : memref<16x1024xf32, #tpu.memory_space<vmem>>, vector<1x16xf32>,
      %get3A_225 = vector.shape_cast %get3A_224 : vector<1x16xf32> to vector<16xf32>
      %min3A_226 = arith.minimumf %min3A_206, %get3A_225 : vector<16xf32>
      %get3A_227 = arith.index_cast %scan3A_65 : i32 to index
      %get3A_228 = arith.constant 512 : index
      %get3A_229 = tpu.vector_load %arg6[%get3A_227, %get3A_228] {strides = array<i32>} : memref<16x1024xf32, #tpu.memory_space<vmem>>, vector<1x16xf32>,
      %get3A_230 = vector.shape_cast %get3A_229 : vector<1x16xf32> to vector<16xf32>
      %min3A_231 = arith.minimumf %min3A_211, %get3A_230 : vector<16xf32>
      %get3A_232 = arith.index_cast %scan3A_65 : i32 to index
      %get3A_233 = arith.constant 528 : index
      %get3A_234 = tpu.vector_load %arg6[%get3A_232, %get3A_233] {strides = array<i32>} : memref<16x1024xf32, #tpu.memory_space<vmem>>, vector<1x16xf32>,
      %get3A_235 = vector.shape_cast %get3A_234 : vector<1x16xf32> to vector<16xf32>
      %min3A_236 = arith.minimumf %min3A_216, %get3A_235 : vector<16xf32>
      %get3A_237 = arith.index_cast %scan3A_65 : i32 to index
      %get3A_238 = arith.constant 544 : index
      %get3A_239 = tpu.vector_load %arg6[%get3A_237, %get3A_238] {strides = array<i32>} : memref<16x1024xf32, #tpu.memory_space<vmem>>, vector<1x16xf32>,
      %get3A_240 = vector.shape_cast %get3A_239 : vector<1x16xf32> to vector<16xf32>
      %min3A_241 = arith.minimumf %min3A_221, %get3A_240 : vector<16xf32>
      %get3A_242 = arith.index_cast %scan3A_65 : i32 to index
      %get3A_243 = arith.constant 560 : index
      %get3A_244 = tpu.vector_load %arg6[%get3A_242, %get3A_243] {strides = array<i32>} : memref<16x1024xf32, #tpu.memory_space<vmem>>, vector<1x16xf32>,
      %get3A_245 = vector.shape_cast %get3A_244 : vector<1x16xf32> to vector<16xf32>
      %min3A_246 = arith.minimumf %min3A_226, %get3A_245 : vector<16xf32>
      %get3A_247 = arith.index_cast %scan3A_65 : i32 to index
      %get3A_248 = arith.constant 576 : index
      %get3A_249 = tpu.vector_load %arg6[%get3A_247, %get3A_248] {strides = array<i32>} : memref<16x1024xf32, #tpu.memory_space<vmem>>, vector<1x16xf32>,
      %get3A_250 = vector.shape_cast %get3A_249 : vector<1x16xf32> to vector<16xf32>
      %min3A_251 = arith.minimumf %min3A_231, %get3A_250 : vector<16xf32>
      %get3A_252 = arith.index_cast %scan3A_65 : i32 to index
      %get3A_253 = arith.constant 592 : index
      %get3A_254 = tpu.vector_load %arg6[%get3A_252, %get3A_253] {strides = array<i32>} : memref<16x1024xf32, #tpu.memory_space<vmem>>, vector<1x16xf32>,
      %get3A_255 = vector.shape_cast %get3A_254 : vector<1x16xf32> to vector<16xf32>
      %min3A_256 = arith.minimumf %min3A_236, %get3A_255 : vector<16xf32>
      %get3A_257 = arith.index_cast %scan3A_65 : i32 to index
      %get3A_258 = arith.constant 608 : index
      %get3A_259 = tpu.vector_load %arg6[%get3A_257, %get3A_258] {strides = array<i32>} : memref<16x1024xf32, #tpu.memory_space<vmem>>, vector<1x16xf32>,
      %get3A_260 = vector.shape_cast %get3A_259 : vector<1x16xf32> to vector<16xf32>
      %min3A_261 = arith.minimumf %min3A_241, %get3A_260 : vector<16xf32>
      %get3A_262 = arith.index_cast %scan3A_65 : i32 to index
      %get3A_263 = arith.constant 624 : index
      %get3A_264 = tpu.vector_load %arg6[%get3A_262, %get3A_263] {strides = array<i32>} : memref<16x1024xf32, #tpu.memory_space<vmem>>, vector<1x16xf32>,
      %get3A_265 = vector.shape_cast %get3A_264 : vector<1x16xf32> to vector<16xf32>
      %min3A_266 = arith.minimumf %min3A_246, %get3A_265 : vector<16xf32>
      %get3A_267 = arith.index_cast %scan3A_65 : i32 to index
      %get3A_268 = arith.constant 640 : index
      %get3A_269 = tpu.vector_load %arg6[%get3A_267, %get3A_268] {strides = array<i32>} : memref<16x1024xf32, #tpu.memory_space<vmem>>, vector<1x16xf32>,
      %get3A_270 = vector.shape_cast %get3A_269 : vector<1x16xf32> to vector<16xf32>
      %min3A_271 = arith.minimumf %min3A_251, %get3A_270 : vector<16xf32>
      %get3A_272 = arith.index_cast %scan3A_65 : i32 to index
      %get3A_273 = arith.constant 656 : index
      %get3A_274 = tpu.vector_load %arg6[%get3A_272, %get3A_273] {strides = array<i32>} : memref<16x1024xf32, #tpu.memory_space<vmem>>, vector<1x16xf32>,
      %get3A_275 = vector.shape_cast %get3A_274 : vector<1x16xf32> to vector<16xf32>
      %min3A_276 = arith.minimumf %min3A_256, %get3A_275 : vector<16xf32>
      %get3A_277 = arith.index_cast %scan3A_65 : i32 to index
      %get3A_278 = arith.constant 672 : index
      %get3A_279 = tpu.vector_load %arg6[%get3A_277, %get3A_278] {strides = array<i32>} : memref<16x1024xf32, #tpu.memory_space<vmem>>, vector<1x16xf32>,
      %get3A_280 = vector.shape_cast %get3A_279 : vector<1x16xf32> to vector<16xf32>
      %min3A_281 = arith.minimumf %min3A_261, %get3A_280 : vector<16xf32>
      %get3A_282 = arith.index_cast %scan3A_65 : i32 to index
      %get3A_283 = arith.constant 688 : index
      %get3A_284 = tpu.vector_load %arg6[%get3A_282, %get3A_283] {strides = array<i32>} : memref<16x1024xf32, #tpu.memory_space<vmem>>, vector<1x16xf32>,
      %get3A_285 = vector.shape_cast %get3A_284 : vector<1x16xf32> to vector<16xf32>
      %min3A_286 = arith.minimumf %min3A_266, %get3A_285 : vector<16xf32>
      %get3A_287 = arith.index_cast %scan3A_65 : i32 to index
      %get3A_288 = arith.constant 704 : index
      %get3A_289 = tpu.vector_load %arg6[%get3A_287, %get3A_288] {strides = array<i32>} : memref<16x1024xf32, #tpu.memory_space<vmem>>, vector<1x16xf32>,
      %get3A_290 = vector.shape_cast %get3A_289 : vector<1x16xf32> to vector<16xf32>
      %min3A_291 = arith.minimumf %min3A_271, %get3A_290 : vector<16xf32>
      %get3A_292 = arith.index_cast %scan3A_65 : i32 to index
      %get3A_293 = arith.constant 720 : index
      %get3A_294 = tpu.vector_load %arg6[%get3A_292, %get3A_293] {strides = array<i32>} : memref<16x1024xf32, #tpu.memory_space<vmem>>, vector<1x16xf32>,
      %get3A_295 = vector.shape_cast %get3A_294 : vector<1x16xf32> to vector<16xf32>
      %min3A_296 = arith.minimumf %min3A_276, %get3A_295 : vector<16xf32>
      %get3A_297 = arith.index_cast %scan3A_65 : i32 to index
      %get3A_298 = arith.constant 736 : index
      %get3A_299 = tpu.vector_load %arg6[%get3A_297, %get3A_298] {strides = array<i32>} : memref<16x1024xf32, #tpu.memory_space<vmem>>, vector<1x16xf32>,
      %get3A_300 = vector.shape_cast %get3A_299 : vector<1x16xf32> to vector<16xf32>
      %min3A_301 = arith.minimumf %min3A_281, %get3A_300 : vector<16xf32>
      %get3A_302 = arith.index_cast %scan3A_65 : i32 to index
      %get3A_303 = arith.constant 752 : index
      %get3A_304 = tpu.vector_load %arg6[%get3A_302, %get3A_303] {strides = array<i32>} : memref<16x1024xf32, #tpu.memory_space<vmem>>, vector<1x16xf32>,
      %get3A_305 = vector.shape_cast %get3A_304 : vector<1x16xf32> to vector<16xf32>
      %min3A_306 = arith.minimumf %min3A_286, %get3A_305 : vector<16xf32>
      %get3A_307 = arith.index_cast %scan3A_65 : i32 to index
      %get3A_308 = arith.constant 768 : index
      %get3A_309 = tpu.vector_load %arg6[%get3A_307, %get3A_308] {strides = array<i32>} : memref<16x1024xf32, #tpu.memory_space<vmem>>, vector<1x16xf32>,
      %get3A_310 = vector.shape_cast %get3A_309 : vector<1x16xf32> to vector<16xf32>
      %min3A_311 = arith.minimumf %min3A_291, %get3A_310 : vector<16xf32>
      %get3A_312 = arith.index_cast %scan3A_65 : i32 to index
      %get3A_313 = arith.constant 784 : index
      %get3A_314 = tpu.vector_load %arg6[%get3A_312, %get3A_313] {strides = array<i32>} : memref<16x1024xf32, #tpu.memory_space<vmem>>, vector<1x16xf32>,
      %get3A_315 = vector.shape_cast %get3A_314 : vector<1x16xf32> to vector<16xf32>
      %min3A_316 = arith.minimumf %min3A_296, %get3A_315 : vector<16xf32>
      %get3A_317 = arith.index_cast %scan3A_65 : i32 to index
      %get3A_318 = arith.constant 800 : index
      %get3A_319 = tpu.vector_load %arg6[%get3A_317, %get3A_318] {strides = array<i32>} : memref<16x1024xf32, #tpu.memory_space<vmem>>, vector<1x16xf32>,
      %get3A_320 = vector.shape_cast %get3A_319 : vector<1x16xf32> to vector<16xf32>
      %min3A_321 = arith.minimumf %min3A_301, %get3A_320 : vector<16xf32>
      %get3A_322 = arith.index_cast %scan3A_65 : i32 to index
      %get3A_323 = arith.constant 816 : index
      %get3A_324 = tpu.vector_load %arg6[%get3A_322, %get3A_323] {strides = array<i32>} : memref<16x1024xf32, #tpu.memory_space<vmem>>, vector<1x16xf32>,
      %get3A_325 = vector.shape_cast %get3A_324 : vector<1x16xf32> to vector<16xf32>
      %min3A_326 = arith.minimumf %min3A_306, %get3A_325 : vector<16xf32>
      %get3A_327 = arith.index_cast %scan3A_65 : i32 to index
      %get3A_328 = arith.constant 832 : index
      %get3A_329 = tpu.vector_load %arg6[%get3A_327, %get3A_328] {strides = array<i32>} : memref<16x1024xf32, #tpu.memory_space<vmem>>, vector<1x16xf32>,
      %get3A_330 = vector.shape_cast %get3A_329 : vector<1x16xf32> to vector<16xf32>
      %min3A_331 = arith.minimumf %min3A_311, %get3A_330 : vector<16xf32>
      %get3A_332 = arith.index_cast %scan3A_65 : i32 to index
      %get3A_333 = arith.constant 848 : index
      %get3A_334 = tpu.vector_load %arg6[%get3A_332, %get3A_333] {strides = array<i32>} : memref<16x1024xf32, #tpu.memory_space<vmem>>, vector<1x16xf32>,
      %get3A_335 = vector.shape_cast %get3A_334 : vector<1x16xf32> to vector<16xf32>
      %min3A_336 = arith.minimumf %min3A_316, %get3A_335 : vector<16xf32>
      %get3A_337 = arith.index_cast %scan3A_65 : i32 to index
      %get3A_338 = arith.constant 864 : index
      %get3A_339 = tpu.vector_load %arg6[%get3A_337, %get3A_338] {strides = array<i32>} : memref<16x1024xf32, #tpu.memory_space<vmem>>, vector<1x16xf32>,
      %get3A_340 = vector.shape_cast %get3A_339 : vector<1x16xf32> to vector<16xf32>
      %min3A_341 = arith.minimumf %min3A_321, %get3A_340 : vector<16xf32>
      %get3A_342 = arith.index_cast %scan3A_65 : i32 to index
      %get3A_343 = arith.constant 880 : index
      %get3A_344 = tpu.vector_load %arg6[%get3A_342, %get3A_343] {strides = array<i32>} : memref<16x1024xf32, #tpu.memory_space<vmem>>, vector<1x16xf32>,
      %get3A_345 = vector.shape_cast %get3A_344 : vector<1x16xf32> to vector<16xf32>
      %min3A_346 = arith.minimumf %min3A_326, %get3A_345 : vector<16xf32>
      %get3A_347 = arith.index_cast %scan3A_65 : i32 to index
      %get3A_348 = arith.constant 896 : index
      %get3A_349 = tpu.vector_load %arg6[%get3A_347, %get3A_348] {strides = array<i32>} : memref<16x1024xf32, #tpu.memory_space<vmem>>, vector<1x16xf32>,
      %get3A_350 = vector.shape_cast %get3A_349 : vector<1x16xf32> to vector<16xf32>
      %min3A_351 = arith.minimumf %min3A_331, %get3A_350 : vector<16xf32>
      %get3A_352 = arith.index_cast %scan3A_65 : i32 to index
      %get3A_353 = arith.constant 912 : index
      %get3A_354 = tpu.vector_load %arg6[%get3A_352, %get3A_353] {strides = array<i32>} : memref<16x1024xf32, #tpu.memory_space<vmem>>, vector<1x16xf32>,
      %get3A_355 = vector.shape_cast %get3A_354 : vector<1x16xf32> to vector<16xf32>
      %min3A_356 = arith.minimumf %min3A_336, %get3A_355 : vector<16xf32>
      %get3A_357 = arith.index_cast %scan3A_65 : i32 to index
      %get3A_358 = arith.constant 928 : index
      %get3A_359 = tpu.vector_load %arg6[%get3A_357, %get3A_358] {strides = array<i32>} : memref<16x1024xf32, #tpu.memory_space<vmem>>, vector<1x16xf32>,
      %get3A_360 = vector.shape_cast %get3A_359 : vector<1x16xf32> to vector<16xf32>
      %min3A_361 = arith.minimumf %min3A_341, %get3A_360 : vector<16xf32>
      %get3A_362 = arith.index_cast %scan3A_65 : i32 to index
      %get3A_363 = arith.constant 944 : index
      %get3A_364 = tpu.vector_load %arg6[%get3A_362, %get3A_363] {strides = array<i32>} : memref<16x1024xf32, #tpu.memory_space<vmem>>, vector<1x16xf32>,
      %get3A_365 = vector.shape_cast %get3A_364 : vector<1x16xf32> to vector<16xf32>
      %min3A_366 = arith.minimumf %min3A_346, %get3A_365 : vector<16xf32>
      %get3A_367 = arith.index_cast %scan3A_65 : i32 to index
      %get3A_368 = arith.constant 960 : index
      %get3A_369 = tpu.vector_load %arg6[%get3A_367, %get3A_368] {strides = array<i32>} : memref<16x1024xf32, #tpu.memory_space<vmem>>, vector<1x16xf32>,
      %get3A_370 = vector.shape_cast %get3A_369 : vector<1x16xf32> to vector<16xf32>
      %min3A_371 = arith.minimumf %min3A_351, %get3A_370 : vector<16xf32>
      %get3A_372 = arith.index_cast %scan3A_65 : i32 to index
      %get3A_373 = arith.constant 976 : index
      %get3A_374 = tpu.vector_load %arg6[%get3A_372, %get3A_373] {strides = array<i32>} : memref<16x1024xf32, #tpu.memory_space<vmem>>, vector<1x16xf32>,
      %get3A_375 = vector.shape_cast %get3A_374 : vector<1x16xf32> to vector<16xf32>
      %min3A_376 = arith.minimumf %min3A_356, %get3A_375 : vector<16xf32>
      %get3A_377 = arith.index_cast %scan3A_65 : i32 to index
      %get3A_378 = arith.constant 992 : index
      %get3A_379 = tpu.vector_load %arg6[%get3A_377, %get3A_378] {strides = array<i32>} : memref<16x1024xf32, #tpu.memory_space<vmem>>, vector<1x16xf32>,
      %get3A_380 = vector.shape_cast %get3A_379 : vector<1x16xf32> to vector<16xf32>
      %min3A_381 = arith.minimumf %min3A_361, %get3A_380 : vector<16xf32>
      %get3A_382 = arith.index_cast %scan3A_65 : i32 to index
      %get3A_383 = arith.constant 1008 : index
      %get3A_384 = tpu.vector_load %arg6[%get3A_382, %get3A_383] {strides = array<i32>} : memref<16x1024xf32, #tpu.memory_space<vmem>>, vector<1x16xf32>,
      %get3A_385 = vector.shape_cast %get3A_384 : vector<1x16xf32> to vector<16xf32>
      %min3A_386 = arith.minimumf %min3A_366, %get3A_385 : vector<16xf32>
      %min3A_387 = arith.minimumf %min3A_371, %min3A_376 : vector<16xf32>
      %min3A_388 = arith.minimumf %min3A_381, %min3A_386 : vector<16xf32>
      %min3A_389 = arith.minimumf %min3A_387, %min3A_388 : vector<16xf32>
      %xor3A = arith.constant 8 : i32
      %xor3A_390 = vector.broadcast %xor3A : i32 to vector<16xi32>
      %xor3A_391 = arith.xori %iota3A, %xor3A_390 : vector<16xi32>
      %broadcast_in_dim3A_392 = vector.shape_cast %xor3A_391 : vector<16xi32> to vector<16x1xi32>
      %gather3A = vector.shape_cast %broadcast_in_dim3A_392 : vector<16x1xi32> to vector<16xi32>
      %gather3A_393 = tpu.dynamic_gather %min3A_389[%gather3A] in [0] : vector<16xf32>, vector<16xi32> -> vector<16xf32>
      %min3A_394 = arith.minimumf %min3A_389, %gather3A_393 : vector<16xf32>
      %xor3A_395 = arith.constant 4 : i32
      %xor3A_396 = vector.broadcast %xor3A_395 : i32 to vector<16xi32>
      %xor3A_397 = arith.xori %iota3A, %xor3A_396 : vector<16xi32>
      %broadcast_in_dim3A_398 = vector.shape_cast %xor3A_397 : vector<16xi32> to vector<16x1xi32>
      %gather3A_399 = vector.shape_cast %broadcast_in_dim3A_398 : vector<16x1xi32> to vector<16xi32>
      %gather3A_400 = tpu.dynamic_gather %min3A_394[%gather3A_399] in [0] : vector<16xf32>, vector<16xi32> -> vector<16xf32>
      %min3A_401 = arith.minimumf %min3A_394, %gather3A_400 : vector<16xf32>
      %xor3A_402 = arith.constant 2 : i32
      %xor3A_403 = vector.broadcast %xor3A_402 : i32 to vector<16xi32>
      %xor3A_404 = arith.xori %iota3A, %xor3A_403 : vector<16xi32>
      %broadcast_in_dim3A_405 = vector.shape_cast %xor3A_404 : vector<16xi32> to vector<16x1xi32>
      %gather3A_406 = vector.shape_cast %broadcast_in_dim3A_405 : vector<16x1xi32> to vector<16xi32>
      %gather3A_407 = tpu.dynamic_gather %min3A_401[%gather3A_406] in [0] : vector<16xf32>, vector<16xi32> -> vector<16xf32>
      %min3A_408 = arith.minimumf %min3A_401, %gather3A_407 : vector<16xf32>
      %xor3A_409 = arith.constant 1 : i32
      %xor3A_410 = vector.broadcast %xor3A_409 : i32 to vector<16xi32>
      %xor3A_411 = arith.xori %iota3A, %xor3A_410 : vector<16xi32>
      %broadcast_in_dim3A_412 = vector.shape_cast %xor3A_411 : vector<16xi32> to vector<16x1xi32>
      %gather3A_413 = vector.shape_cast %broadcast_in_dim3A_412 : vector<16x1xi32> to vector<16xi32>
      %gather3A_414 = tpu.dynamic_gather %min3A_408[%gather3A_413] in [0] : vector<16xf32>, vector<16xi32> -> vector<16xf32>
      %min3A_415 = arith.minimumf %min3A_408, %gather3A_414 : vector<16xf32>
      %eq3A = vector.broadcast %scan3A_65 : i32 to vector<16xi32>
      %eq3A_416 = arith.cmpi eq, %iota3A, %eq3A : vector<16xi32>
      %select_n3A = arith.select %eq3A_416, %min3A_415, %scan3A_66 : vector<16xi1>, vector<16xf32>
      scf.yield %select_n3A : vector<16xf32>
    }
    %scan3A_46 = arith.constant 16 : i32
    %min3A = arith.minimumf %scan3A_35, %get3A_15 : vector<16xf32>
    %min3A_47 = arith.minimumf %scan3A_45, %get3A_15 : vector<16xf32>
    %div3A = arith.divf %min3A, %get3A_15 : vector<16xf32>
    %sub3A = arith.constant 1.000000e+00 : f32
    %sub3A_48 = vector.broadcast %sub3A : f32 to vector<16xf32>
    %sub3A_49 = arith.subf %sub3A_48, %div3A : vector<16xf32>
    %mul3A_50 = arith.mulf %sub3A_49, %get3A_20 : vector<16xf32>
    %add3A_51 = arith.addf %mul3A_50, %get3A_25 : vector<16xf32>
    %swap3A = arith.constant 0 : index
    %swap3A_52 = tpu.vector_load %arg8[%swap3A] {strides = array<i32>} : memref<32xf32, #tpu.memory_space<vmem>>, vector<16xf32>,
    %swap3A_53 = vector.shape_cast %swap3A_52 : vector<16xf32> to vector<16xf32>
    %swap3A_54 = vector.shape_cast %add3A_51 : vector<16xf32> to vector<16xf32>
    tpu.vector_store %arg8[%swap3A], %swap3A_54 {strides = array<i32>} : memref<32xf32, #tpu.memory_space<vmem>>, vector<16xf32>,
    %div3A_55 = arith.divf %min3A_47, %get3A_15 : vector<16xf32>
    %sub3A_56 = arith.constant 1.000000e+00 : f32
    %sub3A_57 = vector.broadcast %sub3A_56 : f32 to vector<16xf32>
    %sub3A_58 = arith.subf %sub3A_57, %div3A_55 : vector<16xf32>
    %mul3A_59 = arith.mulf %sub3A_58, %get3A_20 : vector<16xf32>
    %add3A_60 = arith.addf %mul3A_59, %get3A_25 : vector<16xf32>
    %swap3A_61 = arith.constant 16 : index
    %swap3A_62 = tpu.vector_load %arg8[%swap3A_61] {strides = array<i32>} : memref<32xf32, #tpu.memory_space<vmem>>, vector<16xf32>,
    %swap3A_63 = vector.shape_cast %swap3A_62 : vector<16xf32> to vector<16xf32>
    %swap3A_64 = vector.shape_cast %add3A_60 : vector<16xf32> to vector<16xf32>
    tpu.vector_store %arg8[%swap3A_61], %swap3A_64 {strides = array<i32>} : memref<32xf32, #tpu.memory_space<vmem>>, vector<16xf32>,
    "tpu.region"() ({
      %run_scoped3A = tpu.sem_alloc : memref<!tpu.dma_semaphore, #tpu.memory_space<semaphore_mem>>
      %dma_start3A_65 = tpu.memref_slice %arg4[%mul3A_2] : memref<1024xf32, #tpu.memory_space<hbm>> -> memref<32xf32, #tpu.memory_space<hbm>>
      %dma_start3A_66 = tpu.memref_slice %arg4[%mul3A_2] : memref<1024xf32, #tpu.memory_space<hbm>> -> memref<32xf32, #tpu.memory_space<hbm>>
      tpu.enqueue_dma source(%arg8 : memref<32xf32, #tpu.memory_space<vmem>>) target(%dma_start3A_66 : memref<32xf32, #tpu.memory_space<hbm>>) target_semaphore(%run_scoped3A : memref<!tpu.dma_semaphore, #tpu.memory_space<semaphore_mem>>)
      %dma_wait3A_67 = tpu.memref_slice %arg4[%mul3A_2] : memref<1024xf32, #tpu.memory_space<hbm>> -> memref<32xf32, #tpu.memory_space<hbm>>
      %dma_wait3A_68 = tpu.memref_slice %arg4[%mul3A_2] : memref<1024xf32, #tpu.memory_space<hbm>> -> memref<32xf32, #tpu.memory_space<hbm>>
      tpu.wait_dma2 semaphore(%run_scoped3A : memref<!tpu.dma_semaphore, #tpu.memory_space<semaphore_mem>>) src(%arg8 : memref<32xf32, #tpu.memory_space<vmem>>) dst(%dma_wait3A_68 : memref<32xf32, #tpu.memory_space<hbm>>)
      tpu.yield
    }) : () -> ()
    return
  }
}

module attributes {stable_mosaic.version = 14 : i64} {
  func.func @_dist_kernel(%arg0: memref<1024x128xf32, #tpu.memory_space<vmem>>, %arg1: memref<1024x1xf32, #tpu.memory_space<vmem>>, %arg2: memref<1024x1xf32, #tpu.memory_space<vmem>>, %arg3: memref<1x1xf32, #tpu.memory_space<vmem>>, %arg4: memref<1x1xf32, #tpu.memory_space<vmem>>, %arg5: memref<1024x1024xf32, #tpu.memory_space<vmem>>, %arg6: memref<8x16xf32, #tpu.memory_space<vmem>>) attributes {dimension_semantics = [], scalar_prefetch = 0 : i64, scratch_operands = 0 : i64, tpu.core_type = #tpu.core_type<tc>} {
    %get3A = arith.constant 0 : index
    %get3A_0 = arith.constant 0 : index
    %get3A_1 = vector.load %arg0[%get3A, %get3A_0] : memref<1024x128xf32, #tpu.memory_space<vmem>>, vector<1024x128xf32>
    %get3A_2 = arith.constant 0 : index
    %get3A_3 = arith.constant 0 : index
    %get3A_4 = vector.load %arg1[%get3A_2, %get3A_3] : memref<1024x1xf32, #tpu.memory_space<vmem>>, vector<1024x1xf32>
    %get3A_5 = arith.constant 0 : index
    %get3A_6 = arith.constant 0 : index
    %get3A_7 = vector.load %arg2[%get3A_5, %get3A_6] : memref<1024x1xf32, #tpu.memory_space<vmem>>, vector<1024x1xf32>
    %mul3A = vector.broadcast %get3A_4 : vector<1024x1xf32> to vector<1024x128xf32>
    %mul3A_8 = arith.mulf %get3A_1, %mul3A : vector<1024x128xf32>
    %mul3A_9 = vector.broadcast %get3A_7 : vector<1024x1xf32> to vector<1024x128xf32>
    %mul3A_10 = arith.mulf %get3A_1, %mul3A_9 : vector<1024x128xf32>
    %dot_general3A = arith.constant dense<0.000000e+00> : vector<1024x1024xf32>
    %dot_general3A_11 = tpu.matmul %mul3A_8, %mul3A_10, %dot_general3A {dimension_numbers = #tpu.dot_dimension_numbers<[1], [1], [0], [0], [0, 0, 1, 0], [], []>, transpose_lhs_hint = false} : vector<1024x128xf32>, vector<1024x128xf32>, vector<1024x1024xf32> -> vector<1024x1024xf32>
    %mul3A_12 = arith.mulf %mul3A_8, %mul3A_8 : vector<1024x128xf32>
    %reduce_sum3A = arith.constant dense<0.000000e+00> : vector<1024xf32>
    %reduce_sum3A_13 = vector.multi_reduction <add>, %mul3A_12, %reduce_sum3A [1] : vector<1024x128xf32> to vector<1024xf32>
    %broadcast_in_dim3A = vector.shape_cast %reduce_sum3A_13 : vector<1024xf32> to vector<1024x1xf32>
    %mul3A_14 = arith.mulf %get3A_1, %get3A_1 : vector<1024x128xf32>
    %reduce_sum3A_15 = arith.constant dense<0.000000e+00> : vector<1024xf32>
    %reduce_sum3A_16 = vector.multi_reduction <add>, %mul3A_14, %reduce_sum3A_15 [1] : vector<1024x128xf32> to vector<1024xf32>
    %broadcast_in_dim3A_17 = vector.shape_cast %reduce_sum3A_16 : vector<1024xf32> to vector<1024x1xf32>
    %broadcast_in_dim3A_18 = arith.constant 1.000000e+00 : f32
    %broadcast_in_dim3A_19 = vector.broadcast %broadcast_in_dim3A_18 : f32 to vector<1x128xf32>
    %mul3A_20 = arith.mulf %mul3A_10, %mul3A_10 : vector<1024x128xf32>
    %dot_general3A_21 = arith.constant dense<0.000000e+00> : vector<1x1024xf32>
    %dot_general3A_22 = tpu.matmul %broadcast_in_dim3A_19, %mul3A_20, %dot_general3A_21 {dimension_numbers = #tpu.dot_dimension_numbers<[1], [1], [0], [0], [0, 0, 1, 0], [], []>, transpose_lhs_hint = false} : vector<1x128xf32>, vector<1024x128xf32>, vector<1x1024xf32> -> vector<1x1024xf32>
    %broadcast_in_dim3A_23 = arith.constant 1.000000e+00 : f32
    %broadcast_in_dim3A_24 = vector.broadcast %broadcast_in_dim3A_23 : f32 to vector<1x1xf32>
    %mul3A_25 = arith.mulf %get3A_7, %get3A_7 : vector<1024x1xf32>
    %dot_general3A_26 = arith.constant dense<0.000000e+00> : vector<1x1024xf32>
    %dot_general3A_27 = tpu.matmul %broadcast_in_dim3A_24, %mul3A_25, %dot_general3A_26 {dimension_numbers = #tpu.dot_dimension_numbers<[1], [1], [0], [0], [0, 0, 1, 0], [], []>, transpose_lhs_hint = false} : vector<1x1xf32>, vector<1024x1xf32>, vector<1x1024xf32> -> vector<1x1024xf32>
    %add3A = vector.broadcast %broadcast_in_dim3A : vector<1024x1xf32> to vector<1024x1024xf32>
    %add3A_28 = vector.broadcast %dot_general3A_22 : vector<1x1024xf32> to vector<1024x1024xf32>
    %add3A_29 = arith.addf %add3A, %add3A_28 : vector<1024x1024xf32>
    %mul3A_30 = arith.constant 2.000000e+00 : f32
    %mul3A_31 = vector.broadcast %mul3A_30 : f32 to vector<1024x1024xf32>
    %mul3A_32 = arith.mulf %mul3A_31, %dot_general3A_11 : vector<1024x1024xf32>
    %sub3A = arith.subf %add3A_29, %mul3A_32 : vector<1024x1024xf32>
    %max3A = arith.constant 0.000000e+00 : f32
    %max3A_33 = vector.broadcast %max3A : f32 to vector<1024x1024xf32>
    %max3A_34 = arith.maximumf %sub3A, %max3A_33 : vector<1024x1024xf32>
    %sqrt3A = math.sqrt %max3A_34 : vector<1024x1024xf32>
    %sub3A_35 = arith.subf %get3A_4, %get3A_7 : vector<1024x1xf32>
    %abs3A = math.absf %sub3A_35 : vector<1024x1xf32>
    %sqrt3A_36 = math.sqrt %broadcast_in_dim3A_17 : vector<1024x1xf32>
    %mul3A_37 = arith.mulf %abs3A, %sqrt3A_36 : vector<1024x1xf32>
    %iota3A = tpu.iota {dimensions = array<i32: 0>} : vector<1024x1024xi32>
    %iota3A_38 = tpu.iota {dimensions = array<i32: 1>} : vector<1024x1024xi32>
    %eq3A = arith.cmpi eq, %iota3A, %iota3A_38 : vector<1024x1024xi32>
    %broadcast_in_dim3A_39 = vector.shape_cast %mul3A_37 : vector<1024x1xf32> to vector<1024x1xf32>
    %broadcast_in_dim3A_40 = vector.broadcast %broadcast_in_dim3A_39 : vector<1024x1xf32> to vector<1024x1024xf32>
    %select_n3A = arith.select %eq3A, %broadcast_in_dim3A_40, %sqrt3A : vector<1024x1024xi1>, vector<1024x1024xf32>
    %reduce_sum3A_41 = vector.shape_cast %select_n3A : vector<1024x1024xf32> to vector<1x1024x1024xf32>
    %reduce_sum3A_42 = arith.constant dense<0.000000e+00> : vector<1xf32>
    %reduce_sum3A_43 = vector.multi_reduction <add>, %reduce_sum3A_41, %reduce_sum3A_42 [1, 2] : vector<1x1024x1024xf32> to vector<1xf32>
    %reduce_sum3A_44 = vector.shape_cast %reduce_sum3A_43 : vector<1xf32> to vector<1x1x1xf32>
    %reduce_sum3A_45 = vector.extract %reduce_sum3A_44[0, 0, 0] : f32 from vector<1x1x1xf32>
    %div3A = arith.constant 0x49800000 : f32
    %div3A_46 = arith.divf %reduce_sum3A_45, %div3A : f32
    %gt3A = arith.constant 0.000000e+00 : f32
    %gt3A_47 = vector.broadcast %gt3A : f32 to vector<1x1024xf32>
    %gt3A_48 = arith.cmpf ogt, %dot_general3A_27, %gt3A_47 : vector<1x1024xf32>
    %jit3A = arith.constant 0x7F800000 : f32
    %broadcast_in_dim3A_49 = vector.shape_cast %gt3A_48 : vector<1x1024xi1> to vector<1x1024xi1>
    %broadcast_in_dim3A_50 = vector.broadcast %broadcast_in_dim3A_49 : vector<1x1024xi1> to vector<1024x1024xi1>
    %broadcast_in_dim3A_51 = vector.broadcast %jit3A : f32 to vector<1024x1024xf32>
    %select_n3A_52 = arith.select %broadcast_in_dim3A_50, %select_n3A, %broadcast_in_dim3A_51 : vector<1024x1024xi1>, vector<1024x1024xf32>
    %swap3A = arith.constant 0 : index
    %swap3A_53 = arith.constant 0 : index
    %swap3A_54 = vector.load %arg5[%swap3A, %swap3A_53] : memref<1024x1024xf32, #tpu.memory_space<vmem>>, vector<1024x1024xf32>
    tpu.vector_store %arg5[%swap3A, %swap3A_53], %select_n3A_52 {strides = array<i32>} : memref<1024x1024xf32, #tpu.memory_space<vmem>>, vector<1024x1024xf32>,
    %iota3A_55 = tpu.iota {dimensions = array<i32: 0>} : vector<8x16xi32>
    %eq3A_56 = arith.constant 0 : i32
    %eq3A_57 = vector.broadcast %eq3A_56 : i32 to vector<8x16xi32>
    %eq3A_58 = arith.cmpi eq, %iota3A_55, %eq3A_57 : vector<8x16xi32>
    %eq3A_59 = arith.constant 1 : i32
    %eq3A_60 = vector.broadcast %eq3A_59 : i32 to vector<8x16xi32>
    %eq3A_61 = arith.cmpi eq, %iota3A_55, %eq3A_60 : vector<8x16xi32>
    %get3A_62 = arith.constant 0 : index
    %get3A_63 = arith.constant 0 : index
    %get3A_64 = vector.load %arg3[%get3A_62, %get3A_63] : memref<1x1xf32, #tpu.memory_space<vmem>>, vector<1x1xf32>
    %get3A_65 = vector.extract %get3A_64[0, 0] : f32 from vector<1x1xf32>
    %eq3A_66 = arith.constant 2 : i32
    %eq3A_67 = vector.broadcast %eq3A_66 : i32 to vector<8x16xi32>
    %eq3A_68 = arith.cmpi eq, %iota3A_55, %eq3A_67 : vector<8x16xi32>
    %get3A_69 = arith.constant 0 : index
    %get3A_70 = arith.constant 0 : index
    %get3A_71 = vector.load %arg4[%get3A_69, %get3A_70] : memref<1x1xf32, #tpu.memory_space<vmem>>, vector<1x1xf32>
    %get3A_72 = vector.extract %get3A_71[0, 0] : f32 from vector<1x1xf32>
    %jit3A_73 = arith.constant 0.000000e+00 : f32
    %broadcast_in_dim3A_74 = vector.broadcast %get3A_72 : f32 to vector<8x16xf32>
    %broadcast_in_dim3A_75 = vector.broadcast %jit3A_73 : f32 to vector<8x16xf32>
    %select_n3A_76 = arith.select %eq3A_68, %broadcast_in_dim3A_74, %broadcast_in_dim3A_75 : vector<8x16xi1>, vector<8x16xf32>
    %broadcast_in_dim3A_77 = vector.broadcast %get3A_65 : f32 to vector<8x16xf32>
    %select_n3A_78 = arith.select %eq3A_61, %broadcast_in_dim3A_77, %select_n3A_76 : vector<8x16xi1>, vector<8x16xf32>
    %broadcast_in_dim3A_79 = vector.broadcast %div3A_46 : f32 to vector<8x16xf32>
    %select_n3A_80 = arith.select %eq3A_58, %broadcast_in_dim3A_79, %select_n3A_78 : vector<8x16xi1>, vector<8x16xf32>
    %swap3A_81 = arith.constant 0 : index
    %swap3A_82 = arith.constant 0 : index
    %swap3A_83 = vector.load %arg6[%swap3A_81, %swap3A_82] : memref<8x16xf32, #tpu.memory_space<vmem>>, vector<8x16xf32>
    tpu.vector_store %arg6[%swap3A_81, %swap3A_82], %select_n3A_80 {strides = array<i32>} : memref<8x16xf32, #tpu.memory_space<vmem>>, vector<8x16xf32>,
    return
  }
}

</mosaic_0001>

<sc_bundles>
// kernel: kernel.4.cloned.1.call-start
scs
__scs_entry_jumppad:
0x0: {  	(pc) =	sbr.rel $0x88, $3  }
0x1: {  	(tag) =	ssettag $0x0;
	lr =	simm.s32 $0x1  }
0x2: {  	[smem:$0x3F9C] =	sst lr;
	_ =	strace $0xD0000000  }
0x3: {  	_ = 	snop  }
0x4: {  	_ = 	snop  }
0x5: {  	_ = 	snop  }
0x6: {  	_ = 	snop  }
0x7: {  	_ = 	snop  }
__scs_overlays_trampoline_lowered:
0x8: {  	[smem:$0x3FAB] =	sst s0  }
0x9: {  	[smem:$0x3FAC] =	sst s1  }
0xa: {  	[smem:$0x3FAD] =	sst s2  }
0xb: {  	[smem:$0x3FAE] =	sst s3  }
0xc: {  	[smem:$0x3FAF] =	sst s4  }
0xd: {  	[smem:$0x3FB0] =	sst s5  }
0xe: {  	[smem:$0x3FB1] =	sst s6  }
0xf: {  	[smem:$0x3FB2] =	sst s7  }
0x10: {  	[smem:$0x3FB3] =	sst s8  }
0x11: {  	[smem:$0x3FB4] =	sst s9;
	s0 =	simm.s32 @!p0 $0x0  }
0x12: {  	s1 =	sld [smem:$0x3F9A];
	s0 =	simm.s32 @p0 $0x1  }
0x13: {  	[smem:$0x3FB5] =	sst s0;
	s0 =	simm.s32 @!p1 $0x0  }
0x14: {  	s2 =	sld [smem:$0x3F99];
	s0 =	simm.s32 @p1 $0x1  }
0x15: {  	[smem:$0x3FB6] =	sst s0;
	s0 =	simm.s32 @!p2 $0x0  }
0x16: {  	s3 =	sld [smem:$0x3FDB];
	s0 =	simm.s32 @p2 $0x1  }
0x17: {  	s4 =	simm.s32 $0x1BF5;
	[smem:$0x3FB8] =	sst s0  }
0x18: {  	s0 =	sld [smem:$0x3F9B];
	_ =	swait.ge [sflag:s4], $0x0  }
0x19: {  	s7 =	sld [smem:$0x3F9C]  }
0x1a: {  	s8 =	sadd.s32 $0xFFFFE003, lr  }
0x1b: {  	s9 =	sadd.s32 $0xFFFFFEF7, lr;
	s5 =	simm.s32 $0xFFFFFFFF;
	p2 =	slt.u32 s8, $0xFFFFF086  }
0x1c: {  	p1 =	slt.u32 s9, $0xF7A;
	s5 =	simm.s32 @!p2 $0x0  }
0x1d: {  	s5 =	simm.s32 @p1 $0x1;
	p0 =	seq.s32 s7, s2  }
0x1e: {  	s7 =	smul.u32 @!p0 $0xF7A, s2;
	p2 =	seq.s32 @!p0 s5, $0x0  }
0x1f: {  	s9 =	smul.u32 $0xF7A, s1;
	s8 =	simm.s32 @!p0 $0x1BF5;
	p2 =	por !p2, p0  }
0x20: {  	[sflag:s8] =	ssyncset.s32 @!p0 $0xFFFFF086;
	s6 =	sadd.s32 @!p0 s3, s7;
	s7 =	simm.s32 @!p0 $0x108  }
0x21: {  	s3 =	sadd.s32 s3, s9;
	s6 =	sadd.s32 @!p0 $0x88, s6;
	s7 =	simm.s32 @p2 $0x1082  }
0x22: {  	[simem:s7], [sflag:s8] =	dma.local @!p0 [hbm:s6], $0xF7A  }
0x23: {  	s9 =	sor.u32 $0xD0000000, s2;
	s6 =	simm.s32 $0x108;
	_ =	swait.ge @!p0 [sflag:s8], $0x0  }
0x24: {  	s3 =	sadd.s32 $0x88, s3;
	s6 =	simm.s32 @!p1 $0x1082;
	[sflag:s4] =	ssyncset.s32 $0xFFFFF086  }
0x25: {  	[simem:s6], [sflag:s4] =	dma.local [hbm:s3], $0xF7A  }
0x26: {  	[smem:$0x3F9C] =	sst s1;
	(tag) =	ssettag s2;
	_ =	strace s9  }
0x27: {  	s1 =	sld [smem:$0x3FAC]  }
0x28: {  	s2 =	sld [smem:$0x3FAD]  }
0x29: {  	s4 =	sld [smem:$0x3FAF]  }
0x2a: {  	p0 =	seq.s32 s5, $0x0;
	s5 =	sld [smem:$0x3FB0]  }
0x2b: {  	s6 =	sld [smem:$0x3FB1]  }
0x2c: {  	s7 =	sld [smem:$0x3FB2]  }
0x2d: {  	s3 =	simm.s32 $0x108;
	s8 =	sld [smem:$0x3FB3]  }
0x2e: {  	s3 =	simm.s32 @!p0 $0x1082;
	s9 =	sld [smem:$0x3FB4]  }
0x2f: {  	lr =	sadd.s32 s0, s3;
	s0 =	sld [smem:$0x3FAB]  }
0x30: {  	s3 =	sld [smem:$0x3FAE]  }
0x31: {  	[smem:$0x3FB7] =	sst s10  }
0x32: {  	s10 =	sld [smem:$0x3FB5];
	_ =	sdelay $0x3  }
0x33: {  	p0 =	seq.s32 s10, $0x1;
	s10 =	sld [smem:$0x3FB7];
	_ =	sdelay $0x3  }
0x34: {  	[smem:$0x3FB7] =	sst s10  }
0x35: {  	s10 =	sld [smem:$0x3FB6];
	_ =	sdelay $0x3  }
0x36: {  	p1 =	seq.s32 s10, $0x1;
	s10 =	sld [smem:$0x3FB7];
	_ =	sdelay $0x3  }
0x37: {  	[smem:$0x3FB7] =	sst s10  }
0x38: {  	s10 =	sld [smem:$0x3FB8]  }
0x39: {  	_ = 	snop;
	(pc) =	sbr.ind lr, $3  }
0x3a: {  	_ = 	snop  }
0x3b: {  	_ = 	snop  }
0x3c: {  	p2 =	seq.s32 s10, $0x1;
	s10 =	sld [smem:$0x3FB7]  }
0x3d: {  	_ =	shalt  }
0x3e: {  	_ =	shalt  }
0x3f: {  	_ =	shalt  }
0x40: {  	_ =	shalt  }
0x41: {  	_ =	shalt  }
0x42: {  	_ =	shalt  }
0x43: {  	_ =	shalt  }
0x44: {  	_ =	shalt  }
0x45: {  	_ =	shalt  }
0x46: {  	_ =	shalt  }
0x47: {  	_ =	shalt  }
0x48: {  	_ =	shalt  }
0x49: {  	_ =	shalt  }
0x4a: {  	_ =	shalt  }
0x4b: {  	_ =	shalt  }
0x4c: {  	_ =	shalt  }
0x4d: {  	_ =	shalt  }
0x4e: {  	_ =	shalt  }
0x4f: {  	_ =	shalt  }
0x50: {  	_ =	shalt  }
0x51: {  	_ =	shalt  }
0x52: {  	_ =	shalt  }
0x53: {  	_ =	shalt  }
0x54: {  	_ =	shalt  }
0x55: {  	_ =	shalt  }
0x56: {  	_ =	shalt  }
0x57: {  	_ =	shalt  }
0x58: {  	_ =	shalt  }
0x59: {  	_ =	shalt  }
0x5a: {  	_ =	shalt  }
0x5b: {  	_ =	shalt  }
0x5c: {  	_ =	shalt  }
0x5d: {  	_ =	shalt  }
0x5e: {  	_ =	shalt  }
0x5f: {  	_ =	shalt  }
0x60: {  	_ =	shalt  }
0x61: {  	_ =	shalt  }
0x62: {  	_ =	shalt  }
0x63: {  	_ =	shalt  }
0x64: {  	_ =	shalt  }
0x65: {  	_ =	shalt  }
0x66: {  	_ =	shalt  }
0x67: {  	_ =	shalt  }
0x68: {  	_ =	shalt  }
0x69: {  	_ =	shalt  }
0x6a: {  	_ =	shalt  }
0x6b: {  	_ =	shalt  }
0x6c: {  	_ =	shalt  }
0x6d: {  	_ =	shalt  }
0x6e: {  	_ =	shalt  }
0x6f: {  	_ =	shalt  }
0x70: {  	_ =	shalt  }
0x71: {  	_ =	shalt  }
0x72: {  	_ =	shalt  }
0x73: {  	_ =	shalt  }
0x74: {  	_ =	shalt  }
0x75: {  	_ =	shalt  }
0x76: {  	_ =	shalt  }
0x77: {  	_ =	shalt  }
0x78: {  	_ =	shalt  }
0x79: {  	_ =	shalt  }
0x7a: {  	_ =	shalt  }
0x7b: {  	_ =	shalt  }
0x7c: {  	_ =	shalt  }
0x7d: {  	_ =	shalt  }
0x7e: {  	_ =	shalt  }
0x7f: {  	_ =	shalt  }
0x80: {  	_ =	shalt  }
0x81: {  	_ =	shalt  }
0x82: {  	_ =	shalt  }
0x83: {  	_ =	shalt  }
0x84: {  	_ =	shalt  }
0x85: {  	_ =	shalt  }
0x86: {  	_ =	shalt  }
0x87: {  	_ =	shalt  }
.Lfunc_end0:
.L_simem_size_0:
called_computation_lowered:
.L_overlay_start_0:
0x88: {  	s2 =	sld [smem:$0x3FD9]  }
0x89: {  	s3 =	sld [smem:$0x3FFE];
	_ =	sdelay $0x1  }
0x8a: {  	s1 =	srdreg.scid  }
0x8b: {  	s0 =	sand.u32 $0x1, s1  }
0x8c: {  	s17 =	sshll.u32 s0, $0xA;
	s2 =	sadd.s32 s3, s2  }
0x8d: {  	s2 =	sadd.s32 s2, s17  }
0x8e: {  	[smem:$0x3FC3] =	sst s2  }
0x8f: {  	_ = 	snop  }
0x90: {  	s2 =	sld [smem:$0x3FD0];
	(tm) =	ssettm $0x1  }
0x91: {  	s18 =	sld [smem:$0x3FFB];
	_ =	sdelay $0x3  }
0x92: {  	_ =	strace s18  }
0x93: {  	s3 =	sld [smem:$0x3FFC];
	_ =	sdelay $0x3  }
0x94: {  	_ =	strace s3  }
0x95: {  	s3 =	sld [smem:$0x3FFD];
	_ =	sdelay $0x3  }
0x96: {  	_ =	strace s3  }
0x97: {  	_ =	strace $0x8FFFFFFF  }
0x98: {  	s19 =	sld [smem:$0x3FDB];
	_ =	sdelay $0x1  }
0x99: {  	s4 =	simm.s32 $_scs_section_size  }
0x9a: {  	s5 =	simm.s32 $_size__tile_overlayer_lowered;
	s6 =	simm.s32 $_tile_overlayer_lowered  }
0x9b: {  	s22 =	simm.s32 $0x1BFF;
	s21 =	sshll.u32 s6, $0x1;
	s3 =	sadd.s32 s4, s19  }
0x9c: {  	s7 =	simm.s32 $0x0;
	s20 =	sshll.u32 s5, $0x1;
	s5 =	sadd.s32 s21, s3  }
0x9d: {  	[timem:s7], [sflag:s22] =	dma.local [hbm:s5], s20  }
0x9e: {  	_ =	swait.ge [sflag:s22], s20  }
0x9f: {  	s4 =	ssub.s32 $0x0, s20;
	[sflag:s22] =	ssyncset.done $0x0  }
0xa0: {  	[sflag:s22] =	ssyncadd.s32 s4;
	_ =	sdelay $0x1  }
0xa1: {  	s23 =	simm.s32 $0x1B8B  }
0xa2: {  	_ =	swait.ge [sflag:s23], $0x1  }
0xa3: {  	[sflag:s23] =	ssyncset.done $0x0  }
0xa4: {  	s25 =	simm.s32 $0x1B8E;
	s24 =	sld [smem:$0x3FFE];
	[sflag:s23] =	ssyncadd.s32 $0xFFFFFFFF  }
0xa5: {  	s26 =	simm.s32 $execute0_lowered;
	[smem:$0x3FD2] =	sst s25  }
0xa6: {  	s5 =	sshll.u32 s26, $0x1;
	_ =	strace $0x80000046;
	[dreg:$0x1] =	wrdreg $0xFFFFFFFF  }
0xa7: {  	s28 =	simm.s32 $_size_execute0_lowered;
	s3 =	sadd.s32 s3, s5;
	[dreg:$0x0] =	wrdreg $0x0  }
0xa8: {  	s5 =	sshll.u32 s28, $0x1;
	[dreg:$0x2] =	wrdreg s3  }
0xa9: {  	[dreg:$0x3] =	wrdreg s5  }
0xaa: {  	[dreg:$0x4] =	wrdreg $0xC0  }
0xab: {  	_ =	task [dreg:s7], $0x5FFFF  }
0xac: {  	[dreg:$0x1] =	wrdreg $0xFFFFFFFF  }
0xad: {  	[dreg:$0x0] =	wrdreg $0x60  }
0xae: {  	[dreg:$0x2] =	wrdreg s24  }
0xaf: {  	[dreg:$0x3] =	wrdreg s2  }
0xb0: {  	[dreg:$0x4] =	wrdreg $0x9  }
0xb1: {  	_ =	task.clear_ibuf [dreg:s7], $0x5FFFF;
	_ =	strace $0x90000046  }
0xb2: {  	s29 =	simm.s32 $0x9;
	_ =	strace $0x80000048  }
0xb3: {  	_ =	swait.ge [sflag:s29], $0x1  }
0xb4: {  	[sflag:s29] =	ssyncadd.s32 $0xFFFFFFFF  }
0xb5: {  	_ =	strace $0x90000048  }
0xb6: {  	_ =	sfence  }
0xb7: {  	s30 =	sld [smem:$0x0];
	_ =	sdelay $0x2  }
0xb8: {  	s31 =	sshll.u32 s1, $0xD;
	s1 =	sshrl.u32 s1, $0x2  }
0xb9: {  	s3 =	sand.u32 $0x4000, s31;
	s1 =	sadd.s32 s1, s30  }
0xba: {  	s0 =	sor.u32 s3, s0;
	s1 =	sshll.u32 s1, $0x11  }
0xbb: {  	s0 =	sor.u32 s1, s0  }
0xbc: {  	s0 =	sadd.s32 $0x8F2B, s0  }
0xbd: {  	[sflag:s0] =	ssyncadd.remote.s32 $0x1  }
0xbe: {  	_ =	sfence.sel $0xFFFF  }
0xbf: {  	[dreg:$0x0] =	wrdreg $0xFFFFFFFF;
	(pc) =	sbr.abs _section_cstart, $3  }
0xc0: {  	[dreg:$0x1] =	wrdreg $0xFFFFFFFF  }
0xc1: {  	_ =	task.clear_ibuf [dreg:s7], $0x2FFFF;
	_ =	strace $0x9FFFFFFF  }
0xc2: {  	(tm) =	ssettm $0x7FFFFFFF  }
0xc3: {  	_ =	shalt  }
tec
execute0_lowered:
.L_overlay_start_1:
0x0: {  	(tag) =	ssettag $0x1  }
0x1: {  	v0 =	vimm.s32 $0xFEDCBA98;
	v1 =	vimm.s32 $0x76543210;
	s3 =	rddreg [dreg:$0x0]  }
0x2: {  	s6 =	rddreg [dreg:$0x1];
	s1 =	simm.s32 $0x0;
	v2 =	vimm.s32 $0xBA98FEDC;
	v3 =	vimm.s32 $0x32107654;
	v4 =	vimm.s32 $0xDCFE98BA  }
0x3: {  	s2 =	srdreg.scid;
	s0 =	stileid.u32;
	v5 =	vimm.s32 $0x54761032;
	v6 =	vimm.s32 $0xEFCDAB89;
	s9 =	simm.s32 $0x8000  }
0x4: {  	v7 =	vimm.s32 $0x67452301;
	s10 =	simm.s32 $0x3;
	s11 =	simm.s32 $0x1;
	s12 =	simm.s32 $0x2;
	v0 =	vunpack.c.l.s4.s8 v0;
	v1 =	vunpack.c.l.s4.s8 v1  }
0x5: {  	s13 =	simm.s32 $0x8200;
	s14 =	simm.s32 $0x0;
	s4 =	sand.u32 $0x1, s2;
	v2 =	vunpack.c.l.s4.s8 v2;
	v3 =	vunpack.c.l.s4.s8 v3;
	v4 =	vunpack.c.l.s4.s8 v4  }
0x6: {  	[smem:$0x7FF] =	sst s1;
	s5 =	sshll.u32 s0, $0x6;
	v5 =	vunpack.c.l.s4.s8 v5;
	v6 =	vunpack.c.l.s4.s8 v6;
	v7 =	vunpack.c.l.s4.s8 v7;
	s7 =	sshll.u32 s4, $0x5  }
0x7: {  	s2 =	rddreg [dreg:$0x2];
	s4 =	ssub.s32 $0x2, s4;
	v0 =	vunpack.c.0.s8.s32 v0;
	v1 =	vunpack.c.0.s8.s32 v1;
	s7 =	sor.u32 s7, s5;
	v2 =	vunpack.c.0.s8.s32 v2  }
0x8: {  	_ =	strace $0x80000047;
	s8 =	sshrl.u32 s4, $0x1;
	v3 =	vunpack.c.0.s8.s32 v3;
	v4 =	vunpack.c.0.s8.s32 v4;
	v5 =	vunpack.c.0.s8.s32 v5;
	s5 =	sshll.u32 s7, $0x7  }
0x9: {  	v6 =	vunpack.c.0.s8.s32 v6;
	v7 =	vunpack.c.0.s8.s32 v7;
	s8 =	ssub.s32 s4, s8;
	s7 =	sshrl.u32 s7, $0x3;
	v0 =	vand.u32 $0xF, v0;
	s5 =	sadd.s32 s5, s3  }
0xa: {  	s3 =	sadd.s32 $0x20C00, s3;
	s6 =	sadd.s32 s6, s7;
	s7 =	smax.u32 s8, $0x1;
	v0 =	vcombine.low v0, v1;
	v1 =	vcombine.low v3, v2  }
0xb: {  	s8 =	simm.s32 $0x4000;
	s4 =	sadd.s32 $0xC00, s5;
	s5 =	sadd.s32 $0x1400, s5;
	v2 =	vcombine.low v5, v4;
	v3 =	vcombine.low v7, v6;
	v4 =	vlaneseq.u32  }
.LBB2_1:
0xc: {  	[tilespmem:s1], [sflag:$0x1] =	stream.linear.gather [hbm4b:s4+s1], $0x4000, $0x38;
	[tilespmem:$0x8280] =	vst v63  }
0xd: {  	_ = 	snop  }
0xe: {  	[tilespmem:s8], [sflag:$0x2] =	stream.linear.gather [hbm4b:s5+s1], $0x4000, $0x38;
	[tilespmem:$0x8280] =	vst v63  }
0xf: {  	_ = 	snop  }
0x10: {  	[tilespmem:s9], [sflag:$0x3] =	stream.linear.gather [hbm4b:s3+s1], $0x180, $0x38;
	[tilespmem:$0x8280] =	vst v63  }
0x11: {  	_ =	swait.ge [sflag:s10], $0x180  }
0x12: {  	[sflag:s10] =	ssyncset.done $0x0  }
0x13: {  	[sflag:s10] =	ssyncadd.s32 $0xFFFFFE80  }
0x14: {  	v5 =	vld [tilespmem:$0x8000];
	_ =	sdelay $0x4  }
0x15: {  	[tilespmem:$0x1FEB0] =	vst v5;
	v5 =	vld [tilespmem:$0x8080];
	_ =	sdelay $0x4  }
0x16: {  	[tilespmem:$0x1FEC0] =	vst v5;
	v5 =	vld [tilespmem:$0x8100];
	_ =	sdelay $0x4  }
0x17: {  	[tilespmem:$0x1FED0] =	vst v5  }
0x18: {  	_ =	swait.ge [sflag:s11], $0x4000  }
0x19: {  	s15 =	sand.u32 $0x2000, s1;
	s16 =	sand.u32 $0x380, s1;
	[sflag:s11] =	ssyncset.done $0x0  }
0x1a: {  	s15 =	sor.u32 s16, s15;
	[sflag:s11] =	ssyncadd.s32 $0xFFFFC000  }
0x1b: {  	v5 =	vld [tilespmem:s15+$0x1840];
	_ =	sdelay $0x3  }
0x1c: {  	v38 =	vld [tilespmem:s15+$0x1040]  }
0x1d: {  	[tilespmem:$0x1FFC0] =	vst v5;
	v5 =	vld [tilespmem:s15+$0x1850]  }
0x1e: {  	v37 =	vld [tilespmem:s15+$0x1000]  }
0x1f: {  	v47 =	vld [tilespmem:s15+$0x1010]  }
0x20: {  	v48 =	vld [tilespmem:s15+$0x1020]  }
0x21: {  	v36 =	vld [tilespmem:s15+$0xC40]  }
0x22: {  	[tilespmem:$0x1FFD0] =	vst v5;
	v5 =	vld [tilespmem:s15+$0x1860]  }
0x23: {  	v49 =	vld [tilespmem:s15+$0xC50]  }
0x24: {  	v30 =	vld [tilespmem:s15+$0xC00]  }
0x25: {  	v35 =	vld [tilespmem:s15+$0xC10]  }
0x26: {  	v50 =	vld [tilespmem:s15+$0xC20]  }
0x27: {  	[tilespmem:$0x1FFE0] =	vst v5;
	v5 =	vld [tilespmem:s15+$0x1870]  }
0x28: {  	v29 =	vld [tilespmem:s15+$0x840]  }
0x29: {  	v51 =	vld [tilespmem:s15+$0x850]  }
0x2a: {  	v52 =	vld [tilespmem:s15+$0x860]  }
0x2b: {  	v19 =	vld [tilespmem:s15+$0x800]  }
0x2c: {  	[tilespmem:$0x1FFF0] =	vst v5;
	v5 =	vld [tilespmem:s15+$0x1800]  }
0x2d: {  	v53 =	vld [tilespmem:s15+$0x810]  }
0x2e: {  	v18 =	vld [tilespmem:s15+$0x440]  }
0x2f: {  	v54 =	vld [tilespmem:s15+$0x450]  }
0x30: {  	v55 =	vld [tilespmem:s15+$0x460]  }
0x31: {  	[tilespmem:$0x1FF80] =	vst v5;
	v5 =	vld [tilespmem:s15+$0x1810]  }
0x32: {  	v27 =	vld [tilespmem:s15+$0x400]  }
0x33: {  	v28 =	vld [tilespmem:s15+$0x410]  }
0x34: {  	v56 =	vld [tilespmem:s15+$0x420]  }
0x35: {  	v26 =	vld [tilespmem:s15+$0x0]  }
0x36: {  	[tilespmem:$0x1FF90] =	vst v5;
	v5 =	vld [tilespmem:s15+$0x1820]  }
0x37: {  	v57 =	vld [tilespmem:s15+$0x10]  }
0x38: {  	v58 =	vld [tilespmem:s15+$0x20]  }
0x39: {  	v59 =	vld [tilespmem:s15+$0x30]  }
0x3a: {  	v60 =	vld [tilespmem:s15+$0x40]  }
0x3b: {  	[tilespmem:$0x1FFA0] =	vst v5;
	v5 =	vld [tilespmem:s15+$0x1830]  }
0x3c: {  	v61 =	vld [tilespmem:s15+$0x50]  }
0x3d: {  	v62 =	vld [tilespmem:s15+$0x60]  }
0x3e: {  	v63 =	vld [tilespmem:s15+$0x70]  }
0x3f: {  	v6 =	vld [tilespmem:s15+$0x470]  }
0x40: {  	[tilespmem:$0x1FFB0] =	vst v5;
	v5 =	vld [tilespmem:s15+$0x1440]  }
0x41: {  	v7 =	vld [tilespmem:s15+$0x820]  }
0x42: {  	v8 =	vld [tilespmem:s15+$0x830]  }
0x43: {  	v17 =	vld [tilespmem:s15+$0x870]  }
0x44: {  	v24 =	vld [tilespmem:s15+$0xC30]  }
0x45: {  	[tilespmem:$0x1FF40] =	vst v5;
	v5 =	vld [tilespmem:s15+$0x1450]  }
0x46: {  	v31 =	vld [tilespmem:s15+$0xC60]  }
0x47: {  	s24 =	sand.u32 $0x7, s1;
	v32 =	vld [tilespmem:s15+$0xC70]  }
0x48: {  	s16 =	sshll.u32 s24, $0x7;
	v33 =	vld [tilespmem:s15+$0x1030]  }
0x49: {  	s18 =	sadd.s32 $0x0, s16;
	v34 =	vld [tilespmem:s15+$0x1070]  }
0x4a: {  	s25 =	sor.u32 $0x1C40, s18;
	[tilespmem:$0x1FF50] =	vst v5;
	v5 =	vld [tilespmem:s15+$0x1460]  }
0x4b: {  	s26 =	sor.u32 $0x1C50, s18;
	v46 =	vld [tilespmem:s25+$0x0]  }
0x4c: {  	s28 =	sor.u32 $0x1C60, s18;
	v45 =	vld [tilespmem:s26+$0x0]  }
0x4d: {  	s16 =	sor.u32 $0x1C00, s18;
	v44 =	vld [tilespmem:s28+$0x0]  }
0x4e: {  	v43 =	vld [tilespmem:s16+$0x0]  }
0x4f: {  	s29 =	sor.u32 $0x1C10, s18;
	[tilespmem:$0x1FF60] =	vst v5;
	v5 =	vld [tilespmem:s15+$0x1470]  }
0x50: {  	s30 =	sor.u32 $0x1C20, s18;
	v39 =	vld [tilespmem:s29+$0x0]  }
0x51: {  	s19 =	sor.u32 $0x1C30, s18;
	v41 =	vld [tilespmem:s30+$0x0]  }
0x52: {  	s17 =	simm.s32 $0x80;
	s21 =	sor.u32 $0x1C70, s18;
	s16 =	simm.s32 $0x400;
	v40 =	vld [tilespmem:s19+$0x0]  }
0x53: {  	s20 =	sand.u32 $0x380, s17;
	v42 =	vld [tilespmem:s21+$0x0];
	s31 =	sand.u32 $0x2000, s16  }
0x54: {  	s18 =	sor.u32 s20, s31;
	[tilespmem:$0x1FF70] =	vst v5;
	v5 =	vld [tilespmem:s15+$0x1400]  }
0x55: {  	v12 =	vld [tilespmem:s18+$0x1840]  }
0x56: {  	v9 =	vld [tilespmem:s18+$0x1850]  }
0x57: {  	v10 =	vld [tilespmem:s18+$0x1860]  }
0x58: {  	v11 =	vld [tilespmem:s18+$0x1870]  }
0x59: {  	[tilespmem:$0x1FF00] =	vst v5;
	v5 =	vld [tilespmem:s15+$0x1410]  }
0x5a: {  	v13 =	vld [tilespmem:s18+$0x1800]  }
0x5b: {  	v14 =	vld [tilespmem:s18+$0x1810]  }
0x5c: {  	v15 =	vld [tilespmem:s18+$0x1820]  }
0x5d: {  	v16 =	vld [tilespmem:s18+$0x1830]  }
0x5e: {  	[tilespmem:$0x1FF10] =	vst v5;
	v5 =	vld [tilespmem:s15+$0x1420]  }
0x5f: {  	v21 =	vld [tilespmem:s18+$0x1440]  }
0x60: {  	v23 =	vld [tilespmem:s18+$0x1450]  }
0x61: {  	v20 =	vld [tilespmem:s18+$0x1460]  }
0x62: {  	v22 =	vld [tilespmem:s18+$0x1470]  }
0x63: {  	[tilespmem:$0x1FF20] =	vst v5;
	v5 =	vld [tilespmem:s15+$0x1430]  }
0x64: {  	v25 =	vld [tilespmem:s18+$0x1400]  }
0x65: {  	v60 =	vmin.f32 v26, v60;
	v57 =	vmin.f32 v57, v61;
	v58 =	vmin.f32 v58, v62;
	v26 =	vld [tilespmem:s18+$0x1410]  }
0x66: {  	v57 =	vmin.f32 v57, v28;
	v28 =	vld [tilespmem:s18+$0x1420];
	v56 =	vmin.f32 v58, v56  }
0x67: {  	v58 =	vld [tilespmem:$0x1FFC0];
	v55 =	vmin.f32 v56, v55  }
0x68: {  	v27 =	vmin.f32 v60, v27;
	v7 =	vmin.f32 v55, v7;
	[tilespmem:$0x1FF30] =	vst v5;
	v5 =	vld [tilespmem:s15+$0x1050]  }
0x69: {  	v59 =	vmin.f32 v59, v63;
	v63 =	vmin.f32 v27, v18;
	v27 =	vld [tilespmem:s18+$0x1430];
	v7 =	vmin.f32 v7, v52  }
0x6a: {  	v18 =	vld [tilespmem:s18+$0x1040];
	v7 =	vmin.f32 v7, v50  }
0x6b: {  	v7 =	vmin.f32 v7, v31;
	v31 =	vld [tilespmem:s18+$0x1020]  }
0x6c: {  	v60 =	vld [tilespmem:$0x1FFE0]  }
0x6d: {  	[tilespmem:$0x1FEE0] =	vst v5;
	v5 =	vld [tilespmem:s15+$0x1060]  }
0x6e: {  	v54 =	vmin.f32 v57, v54;
	v61 =	vld [tilespmem:$0x1FFF0]  }
0x6f: {  	v53 =	vmin.f32 v54, v53;
	v54 =	vld [tilespmem:$0x1FF80]  }
0x70: {  	v55 =	vld [tilespmem:$0x1FF90]  }
0x71: {  	v56 =	vld [tilespmem:$0x1FFA0]  }
0x72: {  	[tilespmem:$0x1FEF0] =	vst v5;
	v5 =	vld [tilespmem:s15+$0x430]  }
0x73: {  	v57 =	vld [tilespmem:$0x1FFB0]  }
0x74: {  	v50 =	vld [tilespmem:$0x1FF40]  }
0x75: {  	v52 =	vld [tilespmem:$0x1FF60]  }
0x76: {  	v7 =	vmin.f32 v7, v48;
	v48 =	vld [tilespmem:$0x1FF20]  }
0x77: {  	v5 =	vmin.f32 v59, v5;
	v59 =	vld [tilespmem:$0x1FFD0]  }
0x78: {  	v5 =	vmin.f32 v5, v6;
	v6 =	vmin.f32 v63, v19;
	v19 =	vld [tilespmem:s18+$0x1050]  }
0x79: {  	v63 =	vld [tilespmem:s18+$0x10]  }
0x7a: {  	v6 =	vmin.f32 v6, v29;
	v29 =	vld [tilespmem:s18+$0x1060]  }
0x7b: {  	v5 =	vmin.f32 v5, v8;
	v8 =	vmin.f32 v53, v51;
	v51 =	vld [tilespmem:$0x1FF50]  }
0x7c: {  	v53 =	vld [tilespmem:$0x1FF70]  }
0x7d: {  	v5 =	vmin.f32 v5, v17;
	v6 =	vmin.f32 v6, v30;
	v17 =	vld [tilespmem:s18+$0x1000]  }
0x7e: {  	v8 =	vmin.f32 v8, v35;
	v6 =	vmin.f32 v6, v36;
	v36 =	vld [tilespmem:$0x1FEE0]  }
0x7f: {  	v8 =	vmin.f32 v8, v49;
	v49 =	vld [tilespmem:$0x1FF30]  }
0x80: {  	v6 =	vmin.f32 v6, v37;
	v37 =	vld [tilespmem:$0x1FEF0]  }
0x81: {  	v5 =	vmin.f32 v5, v24;
	v8 =	vmin.f32 v8, v47;
	v47 =	vld [tilespmem:$0x1FF10]  }
0x82: {  	v5 =	vmin.f32 v5, v32;
	v6 =	vmin.f32 v6, v38;
	v38 =	vld [tilespmem:$0x1FF00]  }
0x83: {  	v30 =	vld [tilespmem:s18+$0x1010];
	v5 =	vmin.f32 v5, v33  }
0x84: {  	v35 =	vld [tilespmem:s18+$0xC20];
	v5 =	vmin.f32 v5, v34  }
0x85: {  	v24 =	vld [tilespmem:s18+$0xC40];
	v8 =	vmin.f32 v8, v36;
	v5 =	vmin.f32 v5, v49  }
0x86: {  	v32 =	vld [tilespmem:s18+$0xC50];
	v7 =	vmin.f32 v7, v37;
	v8 =	vmin.f32 v8, v47;
	v5 =	vmin.f32 v5, v53  }
0x87: {  	v33 =	vld [tilespmem:s18+$0xC10];
	v6 =	vmin.f32 v6, v38;
	v7 =	vmin.f32 v7, v48;
	v8 =	vmin.f32 v8, v51  }
0x88: {  	v34 =	vld [tilespmem:s18+$0xC00];
	v5 =	vmin.f32 v5, v57;
	v6 =	vmin.f32 v6, v50;
	v7 =	vmin.f32 v7, v52  }
0x89: {  	v36 =	vld [tilespmem:s18+$0x840];
	v8 =	vmin.f32 v8, v55;
	v5 =	vmin.f32 v5, v61;
	v6 =	vmin.f32 v6, v54  }
0x8a: {  	v37 =	vld [tilespmem:s18+$0x860];
	v7 =	vmin.f32 v7, v56;
	v8 =	vmin.f32 v8, v59;
	v5 =	vmin.f32 v5, v40  }
0x8b: {  	v53 =	vld [tilespmem:s18+$0x450];
	v6 =	vmin.f32 v6, v58;
	v7 =	vmin.f32 v7, v60;
	v8 =	vmin.f32 v8, v39  }
0x8c: {  	v38 =	vld [tilespmem:s18+$0x850];
	v5 =	vmin.f32 v5, v42;
	v6 =	vmin.f32 v6, v43;
	v7 =	vmin.f32 v7, v41  }
0x8d: {  	v57 =	vld [tilespmem:s18+$0x50];
	v8 =	vmin.f32 v8, v45;
	v6 =	vmin.f32 v6, v46;
	v7 =	vmin.f32 v7, v44  }
0x8e: {  	v51 =	vld [tilespmem:s18+$0x60];
	v6 =	vmin.f32 v6, v8;
	v5 =	vmin.f32 v7, v5  }
0x8f: {  	v55 =	vld [tilespmem:s18+$0x440];
	v5 =	vmin.f32 v6, v5  }
0x90: {  	v52 =	vld [tilespmem:s18+$0x0];
	v6 =	vperm.xlane v5, v0  }
0x91: {  	v61 =	vld [tilespmem:s18+$0x30]  }
0x92: {  	v54 =	vld [tilespmem:s18+$0x460];
	v5 =	vmin.f32 v5, v6  }
0x93: {  	v56 =	vld [tilespmem:s18+$0x70];
	v6 =	vperm.xlane v5, v1  }
0x94: {  	v59 =	vld [tilespmem:s18+$0x430]  }
0x95: {  	v39 =	vld [tilespmem:s18+$0x800];
	v5 =	vmin.f32 v5, v6  }
0x96: {  	v60 =	vld [tilespmem:s18+$0x20];
	v6 =	vperm.xlane v5, v2  }
0x97: {  	v58 =	vld [tilespmem:s18+$0x40]  }
0x98: {  	v41 =	vld [tilespmem:s18+$0x810];
	v5 =	vmin.f32 v5, v6  }
0x99: {  	v43 =	vld [tilespmem:s18+$0x400];
	v6 =	vperm.xlane v5, v3  }
0x9a: {  	v44 =	vld [tilespmem:s18+$0x410];
	v8 =	vmov s1  }
0x9b: {  	v62 =	vimm.f32 $0.0e+00;
	v7 =	vld [tilespmem:s18+$0x420];
	vm0 =	veq.s32 v8, v4;
	v5 =	vmin.f32 v5, v6  }
0x9c: {  	s19 =	simm.s32 $0x0;
	s20 =	simm.s32 $0x2;
	s15 =	simm.s32 $0x1;
	v8 =	vsel vm0, v5, v62;
	v62 =	vld [tilespmem:s18+$0x470]  }
.LBB2_2:
0x9d: {  	p0 =	sne.s32 s20, $0xF;
	v5 =	vld [tilespmem:s18+$0x820]  }
0x9e: {  	v6 =	vmin.f32 v52, v58;
	v40 =	vmin.f32 v63, v57;
	v42 =	vmin.f32 v60, v51;
	v45 =	vld [tilespmem:s18+$0x830]  }
0x9f: {  	v6 =	vmin.f32 v6, v43;
	v40 =	vmin.f32 v40, v44;
	v46 =	vmin.f32 v61, v56;
	v43 =	vld [tilespmem:s18+$0x870]  }
0xa0: {  	s19 =	sadd.s32 $0x1, s19;
	v7 =	vmin.f32 v42, v7;
	v6 =	vmin.f32 v6, v55;
	v42 =	vmin.f32 v46, v59;
	v44 =	vld [tilespmem:s18+$0xC30]  }
0xa1: {  	s21 =	sand.u32 $0x7, s19;
	v40 =	vmin.f32 v40, v53;
	v7 =	vmin.f32 v7, v54;
	v42 =	vmin.f32 v42, v62;
	v46 =	vld [tilespmem:s18+$0xC60]  }
0xa2: {  	s21 =	sshll.u32 s21, $0x7;
	v6 =	vmin.f32 v6, v39;
	v39 =	vmin.f32 v40, v41;
	v5 =	vmin.f32 v7, v5;
	v7 =	vld [tilespmem:s18+$0xC70]  }
0xa3: {  	s21 =	sadd.s32 s21, s16;
	v6 =	vmin.f32 v6, v36;
	v36 =	vmin.f32 v39, v38;
	v40 =	vmin.f32 v42, v45;
	v38 =	vld [tilespmem:s18+$0x1030]  }
0xa4: {  	v6 =	vmin.f32 v6, v34;
	v5 =	vmin.f32 v5, v37;
	v37 =	vmin.f32 v40, v43;
	v34 =	vld [tilespmem:s18+$0x1070];
	s18 =	sor.u32 $0x1C40, s21  }
0xa5: {  	v33 =	vmin.f32 v36, v33;
	v5 =	vmin.f32 v5, v35;
	v35 =	vmin.f32 v37, v44;
	v36 =	vld [tilespmem:s18+$0x0];
	s18 =	sor.u32 $0x1C50, s21  }
0xa6: {  	v6 =	vmin.f32 v6, v24;
	v24 =	vmin.f32 v33, v32;
	v5 =	vmin.f32 v5, v46;
	v32 =	vld [tilespmem:s18+$0x0];
	s18 =	sor.u32 $0x1C60, s21  }
0xa7: {  	s22 =	sor.u32 $0x1C00, s21;
	v6 =	vmin.f32 v6, v17;
	v17 =	vmin.f32 v24, v30;
	v7 =	vmin.f32 v35, v7;
	v24 =	vld [tilespmem:s18+$0x0]  }
0xa8: {  	v6 =	vmin.f32 v6, v18;
	v5 =	vmin.f32 v5, v31;
	s18 =	sor.u32 $0x1C10, s21;
	v7 =	vmin.f32 v7, v38;
	v18 =	vld [tilespmem:s22+$0x0]  }
0xa9: {  	v17 =	vmin.f32 v17, v19;
	v5 =	vmin.f32 v5, v29;
	v7 =	vmin.f32 v7, v34;
	v19 =	vld [tilespmem:s18+$0x0];
	s18 =	sor.u32 $0x1C20, s21  }
0xaa: {  	s17 =	sadd.s32 $0x80, s17;
	s16 =	sadd.s32 $0x400, s16;
	v6 =	vmin.f32 v6, v25;
	v17 =	vmin.f32 v17, v26;
	v5 =	vmin.f32 v5, v28;
	v25 =	vld [tilespmem:s18+$0x0];
	s18 =	sor.u32 $0x1C30, s21  }
0xab: {  	s23 =	sand.u32 $0x380, s17;
	v6 =	vmin.f32 v6, v21;
	v17 =	vmin.f32 v17, v23;
	s22 =	sand.u32 $0x2000, s16;
	v7 =	vmin.f32 v7, v27;
	s21 =	sor.u32 $0x1C70, s21;
	v21 =	vld [tilespmem:s18+$0x0]  }
0xac: {  	v6 =	vmin.f32 v6, v13;
	v5 =	vmin.f32 v5, v20;
	s18 =	sor.u32 s23, s22;
	v7 =	vmin.f32 v7, v22;
	v20 =	vld [tilespmem:s21+$0x0]  }
0xad: {  	v13 =	vmin.f32 v17, v14;
	v5 =	vmin.f32 v5, v15;
	v7 =	vmin.f32 v7, v16;
	v22 =	vld [tilespmem:s18+$0x1840]  }
0xae: {  	v6 =	vmin.f32 v6, v12;
	v12 =	vmin.f32 v13, v9;
	v5 =	vmin.f32 v5, v10;
	v9 =	vld [tilespmem:s18+$0x1850]  }
0xaf: {  	v7 =	vmin.f32 v7, v11;
	v6 =	vmin.f32 v6, v18;
	v12 =	vmin.f32 v12, v19;
	v10 =	vld [tilespmem:s18+$0x1860]  }
0xb0: {  	v6 =	vmin.f32 v6, v36;
	v5 =	vmin.f32 v5, v25;
	v11 =	vld [tilespmem:s18+$0x1870];
	v7 =	vmin.f32 v7, v21  }
0xb1: {  	v15 =	vmin.f32 v12, v32;
	v5 =	vmin.f32 v5, v24;
	v13 =	vld [tilespmem:s18+$0x1800];
	v7 =	vmin.f32 v7, v20  }
0xb2: {  	v6 =	vmin.f32 v6, v15;
	v14 =	vld [tilespmem:s18+$0x1810];
	v5 =	vmin.f32 v5, v7;
	v12 =	vmov v22  }
0xb3: {  	v15 =	vld [tilespmem:s18+$0x1820];
	v5 =	vmin.f32 v6, v5  }
0xb4: {  	v16 =	vld [tilespmem:s18+$0x1830];
	v6 =	vperm.xlane v5, v0  }
0xb5: {  	v21 =	vld [tilespmem:s18+$0x1440]  }
0xb6: {  	v23 =	vld [tilespmem:s18+$0x1450];
	v5 =	vmin.f32 v5, v6  }
0xb7: {  	v20 =	vld [tilespmem:s18+$0x1460];
	v6 =	vperm.xlane v5, v1  }
0xb8: {  	v22 =	vld [tilespmem:s18+$0x1470]  }
0xb9: {  	v25 =	vld [tilespmem:s18+$0x1400];
	v5 =	vmin.f32 v5, v6  }
0xba: {  	v26 =	vld [tilespmem:s18+$0x1410];
	v6 =	vperm.xlane v5, v2  }
0xbb: {  	v28 =	vld [tilespmem:s18+$0x1420]  }
0xbc: {  	v27 =	vld [tilespmem:s18+$0x1430];
	v5 =	vmin.f32 v5, v6  }
0xbd: {  	v18 =	vld [tilespmem:s18+$0x1040];
	v6 =	vperm.xlane v5, v3  }
0xbe: {  	v7 =	vmov s15;
	s15 =	smov.u32 s20;
	v19 =	vld [tilespmem:s18+$0x1050]  }
0xbf: {  	vm0 =	veq.s32 v7, v4;
	v29 =	vld [tilespmem:s18+$0x1060];
	v5 =	vmin.f32 v5, v6  }
0xc0: {  	v17 =	vld [tilespmem:s18+$0x1000];
	v8 =	vsel vm0, v5, v8  }
0xc1: {  	v30 =	vld [tilespmem:s18+$0x1010]  }
0xc2: {  	v31 =	vld [tilespmem:s18+$0x1020]  }
0xc3: {  	v24 =	vld [tilespmem:s18+$0xC40]  }
0xc4: {  	v32 =	vld [tilespmem:s18+$0xC50]  }
0xc5: {  	v34 =	vld [tilespmem:s18+$0xC00]  }
0xc6: {  	v33 =	vld [tilespmem:s18+$0xC10]  }
0xc7: {  	v35 =	vld [tilespmem:s18+$0xC20]  }
0xc8: {  	v36 =	vld [tilespmem:s18+$0x840]  }
0xc9: {  	v38 =	vld [tilespmem:s18+$0x850]  }
0xca: {  	v37 =	vld [tilespmem:s18+$0x860]  }
0xcb: {  	v39 =	vld [tilespmem:s18+$0x800]  }
0xcc: {  	v41 =	vld [tilespmem:s18+$0x810]  }
0xcd: {  	v55 =	vld [tilespmem:s18+$0x440]  }
0xce: {  	v53 =	vld [tilespmem:s18+$0x450]  }
0xcf: {  	v54 =	vld [tilespmem:s18+$0x460]  }
0xd0: {  	v43 =	vld [tilespmem:s18+$0x400]  }
0xd1: {  	v44 =	vld [tilespmem:s18+$0x410]  }
0xd2: {  	v7 =	vld [tilespmem:s18+$0x420]  }
0xd3: {  	v52 =	vld [tilespmem:s18+$0x0]  }
0xd4: {  	v63 =	vld [tilespmem:s18+$0x10]  }
0xd5: {  	v60 =	vld [tilespmem:s18+$0x20]  }
0xd6: {  	v61 =	vld [tilespmem:s18+$0x30]  }
0xd7: {  	v58 =	vld [tilespmem:s18+$0x40]  }
.Ltmp0:
0xd8: {  	v57 =	vld [tilespmem:s18+$0x50];
	(pc) =	sbr.rel @p0 .LBB2_2-.Ltmp0, $4  }
0xd9: {  	v51 =	vld [tilespmem:s18+$0x60]  }
0xda: {  	v56 =	vld [tilespmem:s18+$0x70]  }
0xdb: {  	v59 =	vld [tilespmem:s18+$0x430]  }
0xdc: {  	s20 =	sadd.s32 $0x1, s20;
	v62 =	vld [tilespmem:s18+$0x470]  }
0xdd: {  	v5 =	vld [tilespmem:s18+$0x830];
	_ =	sdelay $0x4  }
0xde: {  	[tilespmem:$0x1FAC0] =	vst v5;
	v5 =	vld [tilespmem:s18+$0x870];
	_ =	sdelay $0x4  }
0xdf: {  	[tilespmem:$0x1FAD0] =	vst v5;
	v5 =	vld [tilespmem:s18+$0xC30];
	_ =	sdelay $0x4  }
0xe0: {  	[tilespmem:$0x1FAE0] =	vst v5;
	v5 =	vld [tilespmem:s18+$0xC60];
	_ =	sdelay $0x4  }
0xe1: {  	[tilespmem:$0x1FAF0] =	vst v5;
	v5 =	vld [tilespmem:s18+$0xC70];
	_ =	sdelay $0x4  }
0xe2: {  	[tilespmem:$0x1FB00] =	vst v5;
	v5 =	vld [tilespmem:s18+$0x1030];
	_ =	sdelay $0x4  }
0xe3: {  	s17 =	sadd.s32 $0x1, s19;
	[tilespmem:$0x1FB10] =	vst v5;
	v5 =	vld [tilespmem:s18+$0x1070]  }
0xe4: {  	s17 =	sand.u32 $0x7, s17  }
0xe5: {  	s17 =	sshll.u32 s17, $0x7  }
0xe6: {  	s16 =	sadd.s32 s17, s16  }
0xe7: {  	s17 =	sor.u32 $0x1C40, s16  }
0xe8: {  	[tilespmem:$0x1FB20] =	vst v5;
	v5 =	vld [tilespmem:s17+$0x0];
	_ =	sdelay $0x3  }
0xe9: {  	s29 =	sor.u32 $0x1C50, s16  }
0xea: {  	[tilespmem:$0x1FB70] =	vst v5;
	v5 =	vld [tilespmem:s29+$0x0];
	_ =	sdelay $0x3  }
0xeb: {  	s30 =	sor.u32 $0x1C60, s16  }
0xec: {  	[tilespmem:$0x1FB80] =	vst v5;
	v5 =	vld [tilespmem:s30+$0x0];
	_ =	sdelay $0x3  }
0xed: {  	s31 =	sor.u32 $0x1C00, s16  }
0xee: {  	[tilespmem:$0x1FB90] =	vst v5;
	v5 =	vld [tilespmem:s31+$0x0];
	_ =	sdelay $0x3  }
0xef: {  	s19 =	sor.u32 $0x1C10, s16  }
0xf0: {  	[tilespmem:$0x1FB30] =	vst v5;
	v5 =	vld [tilespmem:s19+$0x0];
	_ =	sdelay $0x3  }
0xf1: {  	s20 =	sor.u32 $0x1C20, s16  }
0xf2: {  	[tilespmem:$0x1FB40] =	vst v5;
	v5 =	vld [tilespmem:s20+$0x0];
	_ =	sdelay $0x3  }
0xf3: {  	s21 =	sor.u32 $0x1C30, s16  }
0xf4: {  	[tilespmem:$0x1FB50] =	vst v5;
	v5 =	vld [tilespmem:s21+$0x0];
	_ =	sdelay $0x3  }
0xf5: {  	s16 =	sor.u32 $0x1C70, s16  }
0xf6: {  	[tilespmem:$0x1FB60] =	vst v5;
	v5 =	vld [tilespmem:s16+$0x0];
	_ =	sdelay $0x4  }
0xf7: {  	[tilespmem:$0x1FBA0] =	vst v5  }
0xf8: {  	v45 =	vld [tilespmem:s18+$0x820];
	s16 =	simm.s32 $0x0;
	_ =	swait.ge [sflag:s12], $0x4000  }
0xf9: {  	s22 =	sand.u32 $0x2000, s16;
	s23 =	sand.u32 $0x380, s16;
	[sflag:s12] =	ssyncset.done $0x0  }
0xfa: {  	s17 =	sor.u32 s23, s22;
	[sflag:s12] =	ssyncadd.s32 $0xFFFFC000  }
0xfb: {  	v5 =	vld [tilespmem:s17+$0x5840];
	_ =	sdelay $0x4  }
0xfc: {  	[tilespmem:$0x1FE70] =	vst v5;
	v5 =	vld [tilespmem:s17+$0x5850];
	_ =	sdelay $0x4  }
0xfd: {  	[tilespmem:$0x1FE80] =	vst v5;
	v5 =	vld [tilespmem:s17+$0x5860];
	_ =	sdelay $0x4  }
0xfe: {  	[tilespmem:$0x1FE90] =	vst v5;
	v5 =	vld [tilespmem:s17+$0x5870];
	_ =	sdelay $0x4  }
0xff: {  	[tilespmem:$0x1FEA0] =	vst v5;
	v5 =	vld [tilespmem:s17+$0x5800];
	_ =	sdelay $0x4  }
0x100: {  	[tilespmem:$0x1FE30] =	vst v5;
	v5 =	vld [tilespmem:s17+$0x5810];
	_ =	sdelay $0x4  }
0x101: {  	[tilespmem:$0x1FE40] =	vst v5;
	v5 =	vld [tilespmem:s17+$0x5820];
	_ =	sdelay $0x4  }
0x102: {  	[tilespmem:$0x1FE50] =	vst v5;
	v5 =	vld [tilespmem:s17+$0x5830];
	_ =	sdelay $0x4  }
0x103: {  	[tilespmem:$0x1FE60] =	vst v5;
	v5 =	vld [tilespmem:s17+$0x5440];
	_ =	sdelay $0x4  }
0x104: {  	[tilespmem:$0x1FDF0] =	vst v5;
	v5 =	vld [tilespmem:s17+$0x5450];
	_ =	sdelay $0x4  }
0x105: {  	[tilespmem:$0x1FE00] =	vst v5;
	v5 =	vld [tilespmem:s17+$0x5460];
	_ =	sdelay $0x4  }
0x106: {  	[tilespmem:$0x1FE10] =	vst v5;
	v5 =	vld [tilespmem:s17+$0x5470];
	_ =	sdelay $0x4  }
0x107: {  	[tilespmem:$0x1FE20] =	vst v5;
	v5 =	vld [tilespmem:s17+$0x5400];
	_ =	sdelay $0x4  }
0x108: {  	[tilespmem:$0x1FDB0] =	vst v5;
	v5 =	vld [tilespmem:s17+$0x5410];
	_ =	sdelay $0x4  }
0x109: {  	[tilespmem:$0x1FDC0] =	vst v5;
	v5 =	vld [tilespmem:s17+$0x5420];
	_ =	sdelay $0x4  }
0x10a: {  	[tilespmem:$0x1FDD0] =	vst v5;
	v5 =	vld [tilespmem:s17+$0x5430];
	_ =	sdelay $0x4  }
0x10b: {  	[tilespmem:$0x1FDE0] =	vst v5;
	v5 =	vld [tilespmem:s17+$0x5040];
	_ =	sdelay $0x4  }
0x10c: {  	[tilespmem:$0x1FD70] =	vst v5;
	v5 =	vld [tilespmem:s17+$0x5050];
	_ =	sdelay $0x4  }
0x10d: {  	[tilespmem:$0x1FD80] =	vst v5;
	v5 =	vld [tilespmem:s17+$0x5060];
	_ =	sdelay $0x4  }
0x10e: {  	[tilespmem:$0x1FD90] =	vst v5;
	v5 =	vld [tilespmem:s17+$0x5000];
	_ =	sdelay $0x3  }
0x10f: {  	v49 =	vld [tilespmem:s17+$0x4470]  }
0x110: {  	[tilespmem:$0x1FD30] =	vst v5;
	v5 =	vld [tilespmem:s17+$0x5010];
	_ =	sdelay $0x3  }
0x111: {  	[tilespmem:$0x1FC20] =	vst v49;
	v49 =	vld [tilespmem:s17+$0x4820]  }
0x112: {  	[tilespmem:$0x1FD40] =	vst v5;
	v5 =	vld [tilespmem:s17+$0x5020];
	_ =	sdelay $0x3  }
0x113: {  	[tilespmem:$0x1FC50] =	vst v49;
	v49 =	vld [tilespmem:s17+$0x4830]  }
0x114: {  	[tilespmem:$0x1FD50] =	vst v5;
	v5 =	vld [tilespmem:s17+$0x4C40];
	_ =	sdelay $0x3  }
0x115: {  	[tilespmem:$0x1FC60] =	vst v49;
	v49 =	vld [tilespmem:s17+$0x4870]  }
0x116: {  	[tilespmem:$0x1FCF0] =	vst v5;
	v5 =	vld [tilespmem:s17+$0x4C50];
	_ =	sdelay $0x3  }
0x117: {  	[tilespmem:$0x1FCA0] =	vst v49;
	v49 =	vld [tilespmem:s17+$0x4C30]  }
0x118: {  	[tilespmem:$0x1FD00] =	vst v5;
	v5 =	vld [tilespmem:s17+$0x4C00];
	_ =	sdelay $0x3  }
0x119: {  	[tilespmem:$0x1FCE0] =	vst v49;
	v49 =	vld [tilespmem:s17+$0x4C60]  }
0x11a: {  	[tilespmem:$0x1FCB0] =	vst v5;
	v5 =	vld [tilespmem:s17+$0x4C10];
	_ =	sdelay $0x3  }
0x11b: {  	[tilespmem:$0x1FD10] =	vst v49;
	v49 =	vld [tilespmem:s17+$0x4C70]  }
0x11c: {  	[tilespmem:$0x1FCC0] =	vst v5;
	v5 =	vld [tilespmem:s17+$0x4C20];
	_ =	sdelay $0x3  }
0x11d: {  	[tilespmem:$0x1FD20] =	vst v49;
	v49 =	vld [tilespmem:s17+$0x5030]  }
0x11e: {  	[tilespmem:$0x1FCD0] =	vst v5;
	v5 =	vld [tilespmem:s17+$0x4840];
	_ =	sdelay $0x1  }
0x11f: {  	v58 =	vmin.f32 v52, v58  }
0x120: {  	v58 =	vmin.f32 v58, v43  }
0x121: {  	v55 =	vmin.f32 v58, v55;
	[tilespmem:$0x1FD60] =	vst v49;
	v49 =	vld [tilespmem:s17+$0x5070]  }
0x122: {  	v57 =	vmin.f32 v63, v57;
	v63 =	vmin.f32 v55, v39;
	[tilespmem:$0x1FC70] =	vst v5;
	v5 =	vld [tilespmem:s17+$0x4850]  }
0x123: {  	v51 =	vmin.f32 v60, v51;
	v57 =	vmin.f32 v57, v44;
	v36 =	vmin.f32 v63, v36  }
0x124: {  	v56 =	vmin.f32 v61, v56;
	v61 =	vmin.f32 v57, v53;
	v34 =	vmin.f32 v36, v34;
	v55 =	vld [tilespmem:$0x1FAD0]  }
0x125: {  	v7 =	vmin.f32 v51, v7;
	v41 =	vmin.f32 v61, v41;
	v34 =	vmin.f32 v34, v24;
	v24 =	vld [tilespmem:$0x1FAF0]  }
0x126: {  	v7 =	vmin.f32 v7, v54;
	v54 =	vmin.f32 v41, v38;
	[tilespmem:$0x1FDA0] =	vst v49;
	v49 =	vld [tilespmem:$0x1FAC0]  }
0x127: {  	v7 =	vmin.f32 v7, v45;
	v33 =	vmin.f32 v54, v33;
	[tilespmem:$0x1FC80] =	vst v5;
	v5 =	vld [tilespmem:s17+$0x4860]  }
0x128: {  	v60 =	vmin.f32 v56, v59;
	v7 =	vmin.f32 v7, v37;
	v32 =	vmin.f32 v33, v32;
	v56 =	vld [tilespmem:$0x1FAE0]  }
0x129: {  	v7 =	vmin.f32 v7, v35;
	v30 =	vmin.f32 v32, v30;
	v57 =	vld [tilespmem:$0x1FB00]  }
0x12a: {  	v30 =	vmin.f32 v30, v19;
	v19 =	vld [tilespmem:$0x1FB20];
	v7 =	vmin.f32 v7, v24  }
0x12b: {  	v51 =	vmin.f32 v60, v62;
	v7 =	vmin.f32 v7, v31;
	v31 =	vld [tilespmem:$0x1FB10]  }
0x12c: {  	v45 =	vmin.f32 v51, v49;
	[tilespmem:$0x1FC90] =	vst v5;
	v5 =	vld [tilespmem:s17+$0x4800]  }
0x12d: {  	v37 =	vmin.f32 v45, v55  }
0x12e: {  	v35 =	vmin.f32 v37, v56  }
0x12f: {  	v33 =	vmin.f32 v35, v57  }
0x130: {  	v31 =	vmin.f32 v33, v31  }
0x131: {  	v7 =	vmin.f32 v7, v29;
	v29 =	vmin.f32 v31, v19;
	[tilespmem:$0x1FC30] =	vst v5;
	v5 =	vld [tilespmem:s17+$0x4810]  }
0x132: {  	v7 =	vmin.f32 v7, v28;
	v27 =	vmin.f32 v29, v27  }
0x133: {  	v7 =	vmin.f32 v7, v20;
	v20 =	vmin.f32 v27, v22  }
0x134: {  	v34 =	vmin.f32 v34, v17;
	v46 =	vld [tilespmem:s17+$0x4000];
	v7 =	vmin.f32 v7, v15;
	v15 =	vmin.f32 v20, v16  }
0x135: {  	v58 =	vmin.f32 v34, v18;
	v7 =	vmin.f32 v7, v10;
	v10 =	vmin.f32 v15, v11;
	v11 =	vld [tilespmem:$0x1FB30]  }
0x136: {  	v31 =	vmin.f32 v58, v25;
	[tilespmem:$0x1FC40] =	vst v5;
	v5 =	vld [tilespmem:s17+$0x4440]  }
0x137: {  	v47 =	vld [tilespmem:s17+$0x4010];
	v28 =	vmin.f32 v31, v21  }
0x138: {  	v48 =	vld [tilespmem:s17+$0x4020];
	v22 =	vmin.f32 v28, v13  }
0x139: {  	v6 =	vld [tilespmem:s17+$0x4050];
	v12 =	vmin.f32 v22, v12  }
0x13a: {  	v12 =	vmin.f32 v12, v11;
	v11 =	vld [tilespmem:$0x1FB40]  }
0x13b: {  	v26 =	vmin.f32 v30, v26;
	[tilespmem:$0x1FBF0] =	vst v5;
	v5 =	vld [tilespmem:s17+$0x4450]  }
0x13c: {  	v23 =	vmin.f32 v26, v23;
	v40 =	vld [tilespmem:s17+$0x4060]  }
0x13d: {  	v23 =	vmin.f32 v23, v14;
	s24 =	sand.u32 $0x7, s16;
	v42 =	vld [tilespmem:s17+$0x4070]  }
0x13e: {  	s18 =	sshll.u32 s24, $0x7;
	v50 =	vld [tilespmem:s17+$0x4430];
	v16 =	vmin.f32 v23, v9  }
0x13f: {  	s25 =	sadd.s32 $0x0, s18;
	v15 =	vmin.f32 v16, v11;
	v16 =	vld [tilespmem:$0x1FB50]  }
0x140: {  	s18 =	sor.u32 $0x1C40, s25;
	[tilespmem:$0x1FC00] =	vst v5;
	v5 =	vld [tilespmem:s17+$0x4460]  }
0x141: {  	s26 =	sor.u32 $0x1C50, s25;
	v52 =	vld [tilespmem:s18+$0x4000]  }
0x142: {  	s28 =	sor.u32 $0x1C60, s25;
	v43 =	vld [tilespmem:s26+$0x4000]  }
0x143: {  	v44 =	vld [tilespmem:s28+$0x4000]  }
0x144: {  	v7 =	vmin.f32 v7, v16;
	v16 =	vld [tilespmem:$0x1FB60]  }
0x145: {  	s29 =	sor.u32 $0x1C00, s25;
	[tilespmem:$0x1FC10] =	vst v5;
	v5 =	vld [tilespmem:s17+$0x4400]  }
0x146: {  	s30 =	sor.u32 $0x1C10, s25;
	v53 =	vld [tilespmem:s29+$0x4000]  }
0x147: {  	s20 =	sor.u32 $0x1C20, s25;
	v39 =	vld [tilespmem:s30+$0x4000]  }
0x148: {  	v38 =	vld [tilespmem:s20+$0x4000]  }
0x149: {  	v16 =	vmin.f32 v10, v16;
	v10 =	vld [tilespmem:$0x1FB70]  }
0x14a: {  	s21 =	sor.u32 $0x1C30, s25;
	[tilespmem:$0x1FBC0] =	vst v5;
	v5 =	vld [tilespmem:s17+$0x4410]  }
0x14b: {  	v41 =	vld [tilespmem:s21+$0x4000]  }
0x14c: {  	v60 =	vld [tilespmem:$0x1FD20]  }
0x14d: {  	v36 =	vld [tilespmem:$0x1FD60]  }
0x14e: {  	v20 =	vmin.f32 v12, v10;
	v12 =	vld [tilespmem:$0x1FB80]  }
0x14f: {  	s23 =	sor.u32 $0x1C70, s25;
	[tilespmem:$0x1FBD0] =	vst v5;
	v5 =	vld [tilespmem:s17+$0x4420]  }
0x150: {  	v45 =	vld [tilespmem:s23+$0x4000]  }
0x151: {  	v55 =	vld [tilespmem:$0x1FDF0]  }
0x152: {  	v56 =	vld [tilespmem:$0x1FE00]  }
0x153: {  	v15 =	vmin.f32 v15, v12;
	v12 =	vld [tilespmem:$0x1FB90]  }
0x154: {  	[tilespmem:$0x1FBE0] =	vst v5;
	v5 =	vld [tilespmem:s17+$0x4030]  }
0x155: {  	v29 =	vld [tilespmem:$0x1FC60]  }
0x156: {  	v57 =	vld [tilespmem:$0x1FE10]  }
0x157: {  	v58 =	vld [tilespmem:$0x1FE20]  }
0x158: {  	v7 =	vmin.f32 v7, v12;
	v12 =	vld [tilespmem:$0x1FBA0]  }
0x159: {  	[tilespmem:$0x1FBB0] =	vst v5;
	v5 =	vld [tilespmem:s17+$0x4040]  }
0x15a: {  	v22 =	vld [tilespmem:$0x1FBC0]  }
0x15b: {  	v49 =	vld [tilespmem:$0x1FDC0]  }
0x15c: {  	v54 =	vld [tilespmem:$0x1FDE0]  }
0x15d: {  	v37 =	vld [tilespmem:$0x1FD70];
	v16 =	vmin.f32 v16, v12  }
0x15e: {  	v51 =	vmin.f32 v7, v16;
	v7 =	vmin.f32 v48, v40;
	v40 =	vld [tilespmem:$0x1FD80];
	v5 =	vmin.f32 v46, v5  }
0x15f: {  	v5 =	vmin.f32 v5, v22;
	v22 =	vld [tilespmem:$0x1FBD0]  }
0x160: {  	v27 =	vld [tilespmem:$0x1FC00]  }
0x161: {  	v48 =	vld [tilespmem:$0x1FDB0]  }
0x162: {  	v61 =	vld [tilespmem:$0x1FD30]  }
0x163: {  	v6 =	vmin.f32 v47, v6;
	v62 =	vld [tilespmem:$0x1FD40]  }
0x164: {  	v26 =	vld [tilespmem:$0x1FBE0];
	v6 =	vmin.f32 v6, v22  }
0x165: {  	v6 =	vmin.f32 v6, v27;
	v27 =	vld [tilespmem:$0x1FC10]  }
0x166: {  	v63 =	vld [tilespmem:$0x1FD50]  }
0x167: {  	v31 =	vld [tilespmem:$0x1FCC0]  }
0x168: {  	s18 =	simm.s32 $0x80;
	v23 =	vmin.f32 v20, v15;
	s17 =	simm.s32 $0x400;
	v20 =	vld [tilespmem:$0x1FBB0]  }
0x169: {  	s22 =	sand.u32 $0x380, s18;
	v30 =	vld [tilespmem:$0x1FC90];
	s31 =	sand.u32 $0x2000, s17;
	v7 =	vmin.f32 v7, v26  }
0x16a: {  	s19 =	sor.u32 s22, s31;
	v7 =	vmin.f32 v7, v27;
	v27 =	vld [tilespmem:$0x1FC20]  }
0x16b: {  	v24 =	vld [tilespmem:s19+$0x5840]  }
0x16c: {  	v17 =	vld [tilespmem:s19+$0x5850]  }
0x16d: {  	v18 =	vld [tilespmem:s19+$0x5860];
	v20 =	vmin.f32 v20, v42  }
0x16e: {  	v26 =	vmin.f32 v20, v50;
	v20 =	vld [tilespmem:$0x1FBF0]  }
0x16f: {  	v28 =	vmin.f32 v26, v27;
	v27 =	vld [tilespmem:$0x1FC30]  }
0x170: {  	v29 =	vmin.f32 v28, v29;
	v28 =	vld [tilespmem:$0x1FC70]  }
0x171: {  	v19 =	vld [tilespmem:s19+$0x5870]  }
0x172: {  	v25 =	vld [tilespmem:s19+$0x5800]  }
0x173: {  	v21 =	vld [tilespmem:s19+$0x5810];
	v5 =	vmin.f32 v5, v20  }
0x174: {  	v5 =	vmin.f32 v5, v27;
	v27 =	vld [tilespmem:$0x1FC40]  }
0x175: {  	v5 =	vmin.f32 v5, v28;
	v28 =	vld [tilespmem:$0x1FC80]  }
0x176: {  	v13 =	vld [tilespmem:s19+$0x5820]  }
0x177: {  	v14 =	vld [tilespmem:s19+$0x5830]  }
0x178: {  	v9 =	vld [tilespmem:s19+$0x5440]  }
0x179: {  	v6 =	vmin.f32 v6, v27;
	v27 =	vld [tilespmem:$0x1FC50]  }
0x17a: {  	v11 =	vld [tilespmem:s19+$0x5450];
	v6 =	vmin.f32 v6, v28  }
0x17b: {  	v6 =	vmin.f32 v6, v31;
	v31 =	vld [tilespmem:$0x1FCD0]  }
0x17c: {  	v10 =	vld [tilespmem:s19+$0x5460]  }
0x17d: {  	v12 =	vld [tilespmem:s19+$0x5470]  }
0x17e: {  	v15 =	vld [tilespmem:s19+$0x5400];
	v7 =	vmin.f32 v7, v27  }
0x17f: {  	v7 =	vmin.f32 v7, v30;
	v30 =	vld [tilespmem:$0x1FCA0]  }
0x180: {  	v7 =	vmin.f32 v7, v31;
	v31 =	vld [tilespmem:$0x1FCE0]  }
0x181: {  	v16 =	vld [tilespmem:s19+$0x5410]  }
0x182: {  	v32 =	vld [tilespmem:s19+$0x4C40]  }
0x183: {  	v23 =	vmin.f32 v23, v51;
	v35 =	vld [tilespmem:s19+$0x4C00]  }
0x184: {  	v51 =	vperm.xlane v23, v0;
	v30 =	vmin.f32 v29, v30;
	v29 =	vld [tilespmem:$0x1FCB0]  }
0x185: {  	v59 =	vmin.f32 v30, v31;
	v30 =	vld [tilespmem:$0x1FCF0]  }
0x186: {  	v23 =	vmin.f32 v23, v51;
	v51 =	vld [tilespmem:s19+$0x4430]  }
0x187: {  	v46 =	vld [tilespmem:$0x1FDA0]  }
0x188: {  	v42 =	vld [tilespmem:$0x1FD90]  }
0x189: {  	v50 =	vld [tilespmem:$0x1FDD0];
	v5 =	vmin.f32 v5, v29  }
0x18a: {  	v5 =	vmin.f32 v5, v30;
	v30 =	vld [tilespmem:$0x1FD00]  }
0x18b: {  	v22 =	vld [tilespmem:s19+$0x5420]  }
0x18c: {  	v20 =	vld [tilespmem:s19+$0x5430]  }
0x18d: {  	v26 =	vld [tilespmem:s19+$0x5040]  }
0x18e: {  	v28 =	vld [tilespmem:s19+$0x5060]  }
0x18f: {  	v6 =	vmin.f32 v6, v30;
	v30 =	vld [tilespmem:$0x1FD10]  }
0x190: {  	v27 =	vld [tilespmem:s19+$0x5050]  }
0x191: {  	v33 =	vmin.f32 v59, v60;
	v60 =	vld [tilespmem:$0x1FE40]  }
0x192: {  	v31 =	vld [tilespmem:s19+$0x5010];
	v6 =	vmin.f32 v6, v62  }
0x193: {  	v59 =	vld [tilespmem:$0x1FE30];
	v6 =	vmin.f32 v6, v40  }
0x194: {  	v34 =	vmin.f32 v33, v36;
	v33 =	vld [tilespmem:s19+$0x4C50];
	v6 =	vmin.f32 v6, v49;
	v7 =	vmin.f32 v7, v30  }
0x195: {  	v36 =	vld [tilespmem:s19+$0x4C20];
	v6 =	vmin.f32 v6, v56;
	v7 =	vmin.f32 v7, v63  }
0x196: {  	v7 =	vmin.f32 v7, v42;
	v42 =	vmin.f32 v6, v60;
	v6 =	vld [tilespmem:$0x1FE50]  }
0x197: {  	v47 =	vmin.f32 v34, v46;
	v34 =	vld [tilespmem:s19+$0x4C10];
	v5 =	vmin.f32 v5, v61  }
0x198: {  	v61 =	vld [tilespmem:$0x1FE70];
	v5 =	vmin.f32 v5, v37  }
0x199: {  	v5 =	vmin.f32 v5, v48;
	v48 =	vld [tilespmem:$0x1FEA0];
	v7 =	vmin.f32 v7, v50  }
0x19a: {  	v62 =	vld [tilespmem:$0x1FE80];
	v7 =	vmin.f32 v7, v57  }
0x19b: {  	v7 =	vmin.f32 v7, v6;
	v6 =	vld [tilespmem:$0x1FE60]  }
0x19c: {  	v37 =	vmin.f32 v47, v54;
	v54 =	vperm.xlane v23, v1;
	v5 =	vmin.f32 v5, v55;
	v63 =	vld [tilespmem:$0x1FE90]  }
0x19d: {  	v29 =	vld [tilespmem:s19+$0x5000];
	v40 =	vmin.f32 v5, v59  }
0x19e: {  	v23 =	vmin.f32 v23, v54;
	v54 =	vld [tilespmem:s19+$0x4070];
	v40 =	vmin.f32 v40, v61  }
0x19f: {  	v37 =	vmin.f32 v37, v58;
	v5 =	vld [tilespmem:s19+$0x4840];
	v40 =	vmin.f32 v40, v53;
	v42 =	vmin.f32 v42, v62  }
0x1a0: {  	v30 =	vld [tilespmem:s19+$0x5020];
	v50 =	vmin.f32 v40, v52;
	v39 =	vmin.f32 v42, v39;
	v37 =	vmin.f32 v37, v6  }
0x1a1: {  	v40 =	vld [tilespmem:s19+$0x4440];
	v39 =	vmin.f32 v39, v43;
	v46 =	vmin.f32 v7, v63;
	v47 =	vmin.f32 v37, v48  }
0x1a2: {  	v43 =	vmin.f32 v50, v39;
	v39 =	vld [tilespmem:s19+$0x4450];
	v49 =	vmin.f32 v46, v38;
	v41 =	vmin.f32 v47, v41  }
0x1a3: {  	v50 =	vld [tilespmem:s19+$0x4040];
	v42 =	vmin.f32 v49, v44;
	v41 =	vmin.f32 v41, v45  }
0x1a4: {  	v7 =	vld [tilespmem:s19+$0x4860];
	v41 =	vmin.f32 v42, v41  }
0x1a5: {  	v38 =	vld [tilespmem:s19+$0x4810];
	v52 =	vmin.f32 v43, v41  }
0x1a6: {  	v46 =	vld [tilespmem:s19+$0x4010];
	v53 =	vperm.xlane v52, v0  }
0x1a7: {  	v44 =	vld [tilespmem:s19+$0x4420]  }
0x1a8: {  	v6 =	vld [tilespmem:s19+$0x4850];
	v55 =	vmin.f32 v52, v53  }
0x1a9: {  	v37 =	vld [tilespmem:s19+$0x4800];
	v56 =	vperm.xlane v55, v1  }
0x1aa: {  	v48 =	vld [tilespmem:s19+$0x4020]  }
0x1ab: {  	v47 =	vld [tilespmem:s19+$0x4030];
	v49 =	vmin.f32 v55, v56  }
0x1ac: {  	v57 =	vperm.xlane v23, v2;
	v45 =	vld [tilespmem:s19+$0x4000];
	v58 =	vperm.xlane v49, v2  }
0x1ad: {  	v42 =	vld [tilespmem:s19+$0x4400]  }
0x1ae: {  	v60 =	vmov s15;
	v23 =	vmin.f32 v23, v57;
	v52 =	vld [tilespmem:s19+$0x4050];
	v49 =	vmin.f32 v49, v58  }
0x1af: {  	v62 =	vmov s16;
	v59 =	vperm.xlane v23, v3;
	v53 =	vld [tilespmem:s19+$0x4060];
	v61 =	vperm.xlane v49, v3  }
0x1b0: {  	vm0 =	veq.s32 v60, v4;
	vm1 =	veq.s32 v62, v4;
	v43 =	vld [tilespmem:s19+$0x4410]  }
0x1b1: {  	v63 =	vimm.f32 $0.0e+00;
	v23 =	vmin.f32 v23, v59;
	v41 =	vld [tilespmem:s19+$0x4460];
	v49 =	vmin.f32 v49, v61  }
0x1b2: {  	s20 =	simm.s32 $0x2;
	s15 =	simm.s32 $0x1;
	v8 =	vsel vm0, v23, v8;
	v23 =	vsel vm1, v49, v63;
	v49 =	vld [tilespmem:s19+$0x4470]  }
.LBB2_4:
0x1b3: {  	p0 =	sne.s32 s20, $0xF;
	v55 =	vld [tilespmem:s19+$0x4820]  }
0x1b4: {  	v45 =	vmin.f32 v45, v50;
	v46 =	vmin.f32 v46, v52;
	v48 =	vmin.f32 v48, v53;
	v50 =	vld [tilespmem:s19+$0x4830]  }
0x1b5: {  	v42 =	vmin.f32 v45, v42;
	v43 =	vmin.f32 v46, v43;
	v47 =	vmin.f32 v47, v54;
	v45 =	vld [tilespmem:s19+$0x4870]  }
0x1b6: {  	s16 =	sadd.s32 $0x1, s16;
	v44 =	vmin.f32 v48, v44;
	v40 =	vmin.f32 v42, v40;
	v46 =	vmin.f32 v47, v51;
	v42 =	vld [tilespmem:s19+$0x4C30]  }
0x1b7: {  	s21 =	sand.u32 $0x7, s16;
	v39 =	vmin.f32 v43, v39;
	v41 =	vmin.f32 v44, v41;
	v43 =	vmin.f32 v46, v49;
	v44 =	vld [tilespmem:s19+$0x4C60]  }
0x1b8: {  	s21 =	sshll.u32 s21, $0x7;
	v37 =	vmin.f32 v40, v37;
	v38 =	vmin.f32 v39, v38;
	v39 =	vmin.f32 v41, v55;
	v40 =	vld [tilespmem:s19+$0x4C70]  }
0x1b9: {  	s21 =	sadd.s32 s21, s17;
	v5 =	vmin.f32 v37, v5;
	v6 =	vmin.f32 v38, v6;
	v41 =	vmin.f32 v43, v50;
	v37 =	vld [tilespmem:s19+$0x5030]  }
0x1ba: {  	v5 =	vmin.f32 v5, v35;
	v7 =	vmin.f32 v39, v7;
	v38 =	vmin.f32 v41, v45;
	v35 =	vld [tilespmem:s19+$0x5070];
	s19 =	sor.u32 $0x1C40, s21  }
0x1bb: {  	v6 =	vmin.f32 v6, v34;
	v7 =	vmin.f32 v7, v36;
	v34 =	vmin.f32 v38, v42;
	v36 =	vld [tilespmem:s19+$0x4000];
	s19 =	sor.u32 $0x1C50, s21  }
0x1bc: {  	v5 =	vmin.f32 v5, v32;
	v6 =	vmin.f32 v6, v33;
	v7 =	vmin.f32 v7, v44;
	v32 =	vld [tilespmem:s19+$0x4000];
	s19 =	sor.u32 $0x1C60, s21  }
0x1bd: {  	s22 =	sor.u32 $0x1C00, s21;
	v5 =	vmin.f32 v5, v29;
	v6 =	vmin.f32 v6, v31;
	v33 =	vmin.f32 v34, v40;
	v29 =	vld [tilespmem:s19+$0x4000]  }
0x1be: {  	v5 =	vmin.f32 v5, v26;
	v7 =	vmin.f32 v7, v30;
	s19 =	sor.u32 $0x1C10, s21;
	v30 =	vmin.f32 v33, v37;
	v26 =	vld [tilespmem:s22+$0x4000]  }
0x1bf: {  	v6 =	vmin.f32 v6, v27;
	v7 =	vmin.f32 v7, v28;
	v27 =	vmin.f32 v30, v35;
	v28 =	vld [tilespmem:s19+$0x4000];
	s19 =	sor.u32 $0x1C20, s21  }
0x1c0: {  	s18 =	sadd.s32 $0x80, s18;
	s17 =	sadd.s32 $0x400, s17;
	v5 =	vmin.f32 v5, v15;
	v6 =	vmin.f32 v6, v16;
	v7 =	vmin.f32 v7, v22;
	v15 =	vld [tilespmem:s19+$0x4000];
	s19 =	sor.u32 $0x1C30, s21  }
0x1c1: {  	s23 =	sand.u32 $0x380, s18;
	v5 =	vmin.f32 v5, v9;
	v6 =	vmin.f32 v6, v11;
	s22 =	sand.u32 $0x2000, s17;
	v16 =	vmin.f32 v27, v20;
	s21 =	sor.u32 $0x1C70, s21;
	v9 =	vld [tilespmem:s19+$0x4000]  }
0x1c2: {  	v5 =	vmin.f32 v5, v25;
	v7 =	vmin.f32 v7, v10;
	s19 =	sor.u32 s23, s22;
	v10 =	vmin.f32 v16, v12;
	v11 =	vld [tilespmem:s21+$0x4000]  }
0x1c3: {  	v6 =	vmin.f32 v6, v21;
	v7 =	vmin.f32 v7, v13;
	v10 =	vmin.f32 v10, v14;
	v12 =	vld [tilespmem:s19+$0x5840]  }
0x1c4: {  	v5 =	vmin.f32 v5, v24;
	v6 =	vmin.f32 v6, v17;
	v7 =	vmin.f32 v7, v18;
	v17 =	vld [tilespmem:s19+$0x5850]  }
0x1c5: {  	v10 =	vmin.f32 v10, v19;
	v5 =	vmin.f32 v5, v26;
	v6 =	vmin.f32 v6, v28;
	v18 =	vld [tilespmem:s19+$0x5860]  }
0x1c6: {  	v5 =	vmin.f32 v5, v36;
	v7 =	vmin.f32 v7, v15;
	v19 =	vld [tilespmem:s19+$0x5870];
	v9 =	vmin.f32 v10, v9  }
0x1c7: {  	v6 =	vmin.f32 v6, v32;
	v7 =	vmin.f32 v7, v29;
	v25 =	vld [tilespmem:s19+$0x5800];
	v9 =	vmin.f32 v9, v11  }
0x1c8: {  	v5 =	vmin.f32 v5, v6;
	v21 =	vld [tilespmem:s19+$0x5810];
	v6 =	vmin.f32 v7, v9;
	v24 =	vmov v12  }
0x1c9: {  	v13 =	vld [tilespmem:s19+$0x5820];
	v5 =	vmin.f32 v5, v6  }
0x1ca: {  	v14 =	vld [tilespmem:s19+$0x5830];
	v6 =	vperm.xlane v5, v0  }
0x1cb: {  	v9 =	vld [tilespmem:s19+$0x5440]  }
0x1cc: {  	v11 =	vld [tilespmem:s19+$0x5450];
	v5 =	vmin.f32 v5, v6  }
0x1cd: {  	v10 =	vld [tilespmem:s19+$0x5460];
	v6 =	vperm.xlane v5, v1  }
0x1ce: {  	v12 =	vld [tilespmem:s19+$0x5470]  }
0x1cf: {  	v15 =	vld [tilespmem:s19+$0x5400];
	v5 =	vmin.f32 v5, v6  }
0x1d0: {  	v16 =	vld [tilespmem:s19+$0x5410];
	v6 =	vperm.xlane v5, v2  }
0x1d1: {  	v22 =	vld [tilespmem:s19+$0x5420]  }
0x1d2: {  	v20 =	vld [tilespmem:s19+$0x5430];
	v5 =	vmin.f32 v5, v6  }
0x1d3: {  	v26 =	vld [tilespmem:s19+$0x5040];
	v6 =	vperm.xlane v5, v3  }
0x1d4: {  	v7 =	vmov s15;
	s15 =	smov.u32 s20;
	v27 =	vld [tilespmem:s19+$0x5050]  }
0x1d5: {  	vm0 =	veq.s32 v7, v4;
	v28 =	vld [tilespmem:s19+$0x5060];
	v5 =	vmin.f32 v5, v6  }
0x1d6: {  	v29 =	vld [tilespmem:s19+$0x5000];
	v23 =	vsel vm0, v5, v23  }
0x1d7: {  	v31 =	vld [tilespmem:s19+$0x5010]  }
0x1d8: {  	v30 =	vld [tilespmem:s19+$0x5020]  }
0x1d9: {  	v32 =	vld [tilespmem:s19+$0x4C40]  }
0x1da: {  	v33 =	vld [tilespmem:s19+$0x4C50]  }
0x1db: {  	v35 =	vld [tilespmem:s19+$0x4C00]  }
0x1dc: {  	v34 =	vld [tilespmem:s19+$0x4C10]  }
0x1dd: {  	v36 =	vld [tilespmem:s19+$0x4C20]  }
0x1de: {  	v5 =	vld [tilespmem:s19+$0x4840]  }
0x1df: {  	v6 =	vld [tilespmem:s19+$0x4850]  }
0x1e0: {  	v7 =	vld [tilespmem:s19+$0x4860]  }
0x1e1: {  	v37 =	vld [tilespmem:s19+$0x4800]  }
0x1e2: {  	v38 =	vld [tilespmem:s19+$0x4810]  }
0x1e3: {  	v40 =	vld [tilespmem:s19+$0x4440]  }
0x1e4: {  	v39 =	vld [tilespmem:s19+$0x4450]  }
0x1e5: {  	v41 =	vld [tilespmem:s19+$0x4460]  }
0x1e6: {  	v42 =	vld [tilespmem:s19+$0x4400]  }
0x1e7: {  	v43 =	vld [tilespmem:s19+$0x4410]  }
0x1e8: {  	v44 =	vld [tilespmem:s19+$0x4420]  }
0x1e9: {  	v45 =	vld [tilespmem:s19+$0x4000]  }
0x1ea: {  	v46 =	vld [tilespmem:s19+$0x4010]  }
0x1eb: {  	v48 =	vld [tilespmem:s19+$0x4020]  }
0x1ec: {  	v47 =	vld [tilespmem:s19+$0x4030]  }
0x1ed: {  	v50 =	vld [tilespmem:s19+$0x4040]  }
.Ltmp1:
0x1ee: {  	v52 =	vld [tilespmem:s19+$0x4050];
	(pc) =	sbr.rel @p0 .LBB2_4-.Ltmp1, $4  }
0x1ef: {  	v53 =	vld [tilespmem:s19+$0x4060]  }
0x1f0: {  	v54 =	vld [tilespmem:s19+$0x4070]  }
0x1f1: {  	v51 =	vld [tilespmem:s19+$0x4430]  }
0x1f2: {  	s20 =	sadd.s32 $0x1, s20;
	v49 =	vld [tilespmem:s19+$0x4470]  }
0x1f3: {  	v55 =	vld [tilespmem:s19+$0x4820]  }
0x1f4: {  	v45 =	vmin.f32 v45, v50;
	v46 =	vmin.f32 v46, v52;
	v56 =	vld [tilespmem:s19+$0x4870];
	v48 =	vmin.f32 v48, v53  }
0x1f5: {  	v53 =	vld [tilespmem:s19+$0x4830];
	v42 =	vmin.f32 v45, v42;
	v43 =	vmin.f32 v46, v43;
	v47 =	vmin.f32 v47, v54  }
0x1f6: {  	v58 =	vld [tilespmem:s19+$0x4C30];
	s16 =	sadd.s32 $0x1, s16;
	v44 =	vmin.f32 v48, v44;
	v40 =	vmin.f32 v42, v40;
	v39 =	vmin.f32 v43, v39  }
0x1f7: {  	v60 =	vld [tilespmem:s19+$0x4C60];
	s16 =	sand.u32 $0x7, s16;
	v57 =	vmin.f32 v47, v51;
	v41 =	vmin.f32 v44, v41;
	v37 =	vmin.f32 v40, v37  }
0x1f8: {  	v62 =	vld [tilespmem:s19+$0x4C70];
	s16 =	sshll.u32 s16, $0x7;
	v38 =	vmin.f32 v39, v38;
	v59 =	vmin.f32 v57, v49;
	v5 =	vmin.f32 v37, v5  }
0x1f9: {  	v46 =	vld [tilespmem:s19+$0x5030];
	s16 =	sadd.s32 s16, s17;
	v6 =	vmin.f32 v38, v6;
	v61 =	vmin.f32 v41, v55;
	v5 =	vmin.f32 v5, v35  }
0x1fa: {  	v48 =	vld [tilespmem:s19+$0x5070];
	s17 =	sor.u32 $0x1C40, s16;
	v6 =	vmin.f32 v6, v34;
	v63 =	vmin.f32 v59, v53;
	v7 =	vmin.f32 v61, v7  }
0x1fb: {  	s26 =	sor.u32 $0x1C50, s16;
	v50 =	vld [tilespmem:s17+$0x4000];
	v5 =	vmin.f32 v5, v32;
	v6 =	vmin.f32 v6, v33;
	v47 =	vmin.f32 v63, v56  }
0x1fc: {  	s18 =	sor.u32 $0x1C00, s16;
	v51 =	vld [tilespmem:s26+$0x4000];
	v7 =	vmin.f32 v7, v36;
	v5 =	vmin.f32 v5, v29;
	v6 =	vmin.f32 v6, v31  }
0x1fd: {  	s29 =	sor.u32 $0x1C10, s16;
	v55 =	vld [tilespmem:s18+$0x4000];
	v49 =	vmin.f32 v47, v58;
	v7 =	vmin.f32 v7, v60;
	v5 =	vmin.f32 v5, v26  }
0x1fe: {  	s28 =	sor.u32 $0x1C60, s16;
	v57 =	vld [tilespmem:s29+$0x4000];
	v6 =	vmin.f32 v6, v27;
	v52 =	vmin.f32 v49, v62;
	v7 =	vmin.f32 v7, v30  }
0x1ff: {  	s30 =	sor.u32 $0x1C20, s16;
	v53 =	vld [tilespmem:s28+$0x4000];
	v5 =	vmin.f32 v5, v15;
	v6 =	vmin.f32 v6, v16;
	v54 =	vmin.f32 v52, v46  }
0x200: {  	s31 =	sor.u32 $0x1C30, s16;
	v58 =	vld [tilespmem:s30+$0x4000];
	v7 =	vmin.f32 v7, v28;
	v5 =	vmin.f32 v5, v9;
	v6 =	vmin.f32 v6, v11  }
0x201: {  	s16 =	sor.u32 $0x1C70, s16;
	v60 =	vld [tilespmem:s31+$0x4000];
	v56 =	vmin.f32 v54, v48;
	v7 =	vmin.f32 v7, v22;
	v5 =	vmin.f32 v5, v25  }
0x202: {  	v62 =	vld [tilespmem:s16+$0x4000];
	v6 =	vmin.f32 v6, v21;
	v59 =	vmin.f32 v56, v20;
	v7 =	vmin.f32 v7, v10  }
0x203: {  	v5 =	vmin.f32 v5, v24;
	v6 =	vmin.f32 v6, v17;
	v61 =	vmin.f32 v59, v12  }
0x204: {  	v7 =	vmin.f32 v7, v13;
	v5 =	vmin.f32 v5, v55;
	v10 =	vmin.f32 v61, v14  }
0x205: {  	v6 =	vmin.f32 v6, v57;
	v7 =	vmin.f32 v7, v18;
	v10 =	vmin.f32 v10, v19  }
0x206: {  	v5 =	vmin.f32 v5, v50;
	v7 =	vmin.f32 v7, v58;
	v9 =	vmin.f32 v10, v60  }
0x207: {  	v6 =	vmin.f32 v6, v51;
	v7 =	vmin.f32 v7, v53;
	v9 =	vmin.f32 v9, v62  }
0x208: {  	v5 =	vmin.f32 v5, v6;
	v6 =	vmin.f32 v7, v9  }
0x209: {  	v63 =	vld [tilespmem:$0x1FEB0];
	v5 =	vmin.f32 v5, v6  }
0x20a: {  	v6 =	vperm.xlane v5, v0;
	_ =	sdelay $0x1  }
0x20b: {  	v5 =	vmin.f32 v5, v6  }
0x20c: {  	v6 =	vperm.xlane v5, v1  }
0x20d: {  	(erf) = vrcp.f32 v63  }
0x20e: {  	v5 =	vmin.f32 v5, v6  }
0x20f: {  	v6 =	vperm.xlane v5, v2;
	_ =	sdelay $0x1  }
0x210: {  	v5 =	vmin.f32 v5, v6  }
0x211: {  	v6 =	vperm.xlane v5, v3  }
0x212: {  	v7 =	vmov s15  }
0x213: {  	vm0 =	veq.s32 v7, v4;
	v5 =	vmin.f32 v5, v6  }
0x214: {  	v5 =	vsel vm0, v5, v23  }
0x215: {  	v7 =	vpop (erf);
	v6 =	vmin.f32 v8, v63;
	v5 =	vmin.f32 v5, v63  }
0x216: {  	v6 =	vmul.f32 v6, v7;
	v5 =	vmul.f32 v5, v7;
	v7 =	vld [tilespmem:$0x1FEC0];
	_ =	sdelay $0x2  }
0x217: {  	v6 =	vsub.f32 $1.000000000e+00, v6;
	v5 =	vsub.f32 $1.000000000e+00, v5;
	_ =	sdelay $0x1  }
0x218: {  	v6 =	vmul.f32 v6, v7;
	v5 =	vmul.f32 v5, v7;
	v7 =	vld [tilespmem:$0x1FED0];
	_ =	sdelay $0x4  }
0x219: {  	v6 =	vadd.f32 v6, v7  }
0x21a: {  	s14 =	sadd.s32 $0x1, s14;
	v5 =	vadd.f32 v5, v7  }
0x21b: {  	p0 =	sne.s32 s14, s7;
	[tilespmem:$0x8200] =	vst v6  }
.Ltmp2:
0x21c: {  	[tilespmem:$0x8210] =	vst v5;
	(pc) =	sbr.rel @p0 .LBB2_1-.Ltmp2, $4  }
0x21d: {  	[hbm4b:s6+s1] =	stream.linear.scatter [tilespmem:s13], [sflag:$0x3], $0x20, $0x38;
	[tilespmem:$0x8280] =	vst v63  }
0x21e: {  	_ =	swait.ge [sflag:s10], $0x20  }
0x21f: {  	[sflag:s10] =	ssyncset.done $0x0  }
0x220: {  	[sflag:s10] =	ssyncadd.s32 $0xFFFFFFE0  }
0x221: {  	_ =	sfence.sel $0x180000  }
0x222: {  	[bflag:$0x0] =	sbarrier.arrive $0xFFFF  }
0x223: {  	p0 =	sne.s32 s0, $0x0;
	_ =	strace $0x90000047  }
0x224: {  	s0 =	sadd.s32 @!p0 $0x100000, s2;
	[bflag:$0x2] =	sbarrier.arrive $0xFFFF  }
0x225: {  	[sflag:s0] =	ssyncadd.tile.s32 @!p0 $0x1;
	_ =	shalt  }
.Lfunc_end2:
_tile_overlayer_lowered:
.L_overlay_start_2:
0x226: {  	(tag) =	ssettag $0x2  }
0x227: {  	s0 =	rddreg [dreg:$0x0];
	s2 =	stileid.u32  }
0x228: {  	s1 =	rddreg [dreg:$0x1];
	p0 =	sne.s32 s2, $0x0  }
0x229: {  	s3 =	rddreg [dreg:$0x2];
	[bflag:$0x3] =	sbarrier.arrive $0xFFFF;
	s2 =	simm.s32 @!p0 $0x1C03  }
0x22a: {  	[timem:s3], [sflag:s2] =	dma.local @!p0 [hbm:s0], s1  }
0x22b: {  	s0 =	simm.s32 @!p0 $0x3  }
0x22c: {  	_ =	swait.ge @!p0 [sflag:s0], s1  }
0x22d: {  	s1 =	ssub.s32 @!p0 $0x0, s1;
	[sflag:s0] =	ssyncset.done @!p0 $0x0  }
0x22e: {  	[sflag:s0] =	ssyncadd.s32 @!p0 s1  }
0x22f: {  	[bflag:$0x3] =	sbarrier.arrive $0xFFFF  }
0x230: {  	_ =	shalt  }

</sc_bundles>
